<compile_context>
chip_gen: v7x
topology: tpu7x:2x2x1
jax: 0.10.2.dev20260603
libtpu: 0.0.44.dev20260713+nightly
codegen_flags: <defaults>
</compile_context>

<pallas_src>
import functools

import jax
import jax.numpy as jnp
from jax import lax
from jax.experimental import pallas as pl
from jax.experimental.pallas import tpu as pltpu
from jax.experimental.pallas import tpu_sc as plsc

N = 32768
L = 16
ROWS = N // L
WIDE = 128
WROWS = N // WIDE
NS = 16
R_TILE = ROWS // NS
W_TILE = WROWS // NS
R_UNROLL = 8
SH_PAD = 32
NEG_INF = float("-inf")

_mesh = plsc.VectorSubcoreMesh(
    core_axis_name="c", subcore_axis_name="s", num_cores=1
)


@functools.partial(
    pl.kernel,
    mesh=_mesh,
    compiler_params=pltpu.CompilerParams(needs_layout_passes=False),
    out_type=jax.ShapeDtypeStruct((WROWS, WIDE), jnp.float32),
    scratch_types=[
        pltpu.VMEM((R_TILE, L), jnp.float32),
        pltpu.VMEM((W_TILE, WIDE), jnp.float32),
        pltpu.VMEM((2, L), jnp.float32),
        pltpu.VMEM((L,), jnp.float32),
        pltpu.VMEM((L,), jnp.int32),
        pltpu.VMEM((2 * NS, L), jnp.float32),
        pltpu.SemaphoreType.DMA,
        pltpu.SemaphoreType.DMA,
        pltpu.VMEM_SHARED((SH_PAD + 2 * NS, L), jnp.float32),
    ],
)
def _argmax_onehot(x_hbm, out_hbm, xv, ov, stage, tm, ti, lms,
                   sem_in, sem_out, sh):
    sid = lax.axis_index("s")
    row0 = sid * R_TILE
    wrow0 = sid * W_TILE

    in_dma = pltpu.async_copy(x_hbm.at[pl.ds(row0, R_TILE), :], xv, sem_in)

    zero = jnp.zeros((L,), jnp.float32)
    for r in range(W_TILE):
        for c in range(WIDE // L):
            ov[r, pl.ds(c * L, L)] = zero
    out_dma = pltpu.async_copy(ov, out_hbm.at[pl.ds(wrow0, W_TILE), :], sem_out)

    in_dma.wait()
    lane = lax.broadcasted_iota(jnp.int32, (L,), 0)

    def rbody(j, carry):
        mv, iv, cur = carry
        base = j * R_UNROLL
        for k in range(R_UNROLL):
            v = xv[base + k]
            idx = cur + k * L
            better = v > mv
            mv = jnp.where(better, v, mv)
            iv = jnp.where(better, idx, iv)
        return mv, iv, cur + R_UNROLL * L

    mv0 = jnp.full((L,), NEG_INF, jnp.float32)
    iv0 = jnp.zeros((L,), jnp.int32)
    cur0 = lane + row0 * L
    mv, iv, _ = lax.fori_loop(0, R_TILE // R_UNROLL, rbody, (mv0, iv0, cur0))

    stage[0] = mv
    stage[1] = plsc.bitcast(iv, jnp.float32)
    pltpu.sync_copy(stage, sh.at[pl.ds(SH_PAD + 2 * sid, 2)])
    plsc.subcore_barrier()

    pltpu.sync_copy(sh.at[pl.ds(SH_PAD, 2 * NS)], lms)

    gm = jnp.full((L,), NEG_INF, jnp.float32)
    gi = jnp.zeros((L,), jnp.int32)
    for t in range(NS):
        rm = lms[2 * t]
        ri = plsc.bitcast(lms[2 * t + 1], jnp.int32)
        better = rm > gm
        gm = jnp.where(better, rm, gm)
        gi = jnp.where(better, ri, gi)

    for s in (8, 4, 2, 1):
        perm = lane ^ s
        tm[...] = gm
        ti[...] = gi
        om = plsc.load_gather(tm, [perm])
        oi = plsc.load_gather(ti, [perm])
        take = (om > gm) | ((om == gm) & (oi < gi))
        gm = jnp.where(take, om, gm)
        gi = jnp.where(take, oi, gi)

    out_dma.wait()
    wr = (gi >> 7)[0]
    owner = (wr >= wrow0) & (wr < wrow0 + W_TILE)

    @pl.when(owner)
    def _():
        off = gi & (WIDE - 1)
        rloc = wr - wrow0
        for c in range(WIDE // L):
            ov[rloc, pl.ds(c * L, L)] = jnp.where(
                lane + c * L == off, 1.0, 0.0
            ).astype(jnp.float32)
        pltpu.sync_copy(ov, out_hbm.at[pl.ds(wrow0, W_TILE), :])


def kernel(x):
    out2d = _argmax_onehot(x.reshape(ROWS, L))
    return out2d.reshape(N)

# --- scband reference (transcript-rebuilt; emitter-appended) ---
"""Pipeline reference for scband-max-val-36653250904708 (READ-ONLY COPY).

The authoritative reference and input builder live on the scoring server;
editing this copy changes nothing except your own understanding.
"""

import jax, jax.numpy as jnp
import numpy as np

def setup_inputs(seed: int = 0) -> dict:
    key = jax.random.key(seed)
    x = jax.random.normal(key, (32768,), dtype=jnp.float32)
    return {"x": x}

def reference(x):
    zeros = jnp.zeros((x.shape[0],), dtype=x.dtype)
    idx = jnp.argmax(x)
    out = zeros.at[idx].set(1.0)
    return out

if __name__ == "__main__":
    import jax
    _d = setup_inputs()
    print(jax.jit(kernel)(*tuple(_d.values())))

</pallas_src>

<mosaic_0001>
#map = affine_map<(d0, d1) -> (0, 0)>
module attributes {stable_mosaic.version = 14 : i64} {
  func.func @_argmax_onehot(%arg0: i32, %arg1: i32, %arg2: memref<2048x16xf32, #tpu.memory_space<hbm>>, %arg3: memref<256x128xf32, #tpu.memory_space<hbm>>, %arg4: memref<128x16xf32, #tpu.memory_space<vmem>>, %arg5: memref<16x128xf32, #tpu.memory_space<vmem>>, %arg6: memref<2x16xf32, #tpu.memory_space<vmem>>, %arg7: memref<16xf32, #tpu.memory_space<vmem>>, %arg8: memref<16xi32, #tpu.memory_space<vmem>>, %arg9: memref<32x16xf32, #tpu.memory_space<vmem>>, %arg10: memref<!tpu.dma_semaphore, #tpu.memory_space<semaphore_mem>>, %arg11: memref<!tpu.dma_semaphore, #tpu.memory_space<semaphore_mem>>, %arg12: memref<64x16xf32, #tpu.memory_space<vmem_shared>>) attributes {dimension_semantics = [#tpu.dimension_semantics<core_parallel>, #tpu.dimension_semantics<subcore_parallel>], iteration_bounds = array<i64: 1, 16>, scalar_prefetch = 0 : i64, scratch_operands = 9 : i64, tpu.core_type = #tpu.core_type<sc_vector_subcore>, window_params = [{transform_indices = #map}, {transform_indices = #map}]} {
    %mul3A = arith.constant 128 : i32
    %mul3A_0 = arith.muli %arg1, %mul3A : i32
    %mul3A_1 = arith.constant 16 : i32
    %mul3A_2 = arith.muli %arg1, %mul3A_1 : i32
    %dma_start3A = arith.constant 0 : i32
    %dma_start3A_3 = tpu.memref_slice %arg2[%mul3A_0, %dma_start3A] : memref<2048x16xf32, #tpu.memory_space<hbm>> -> memref<128x16xf32, #tpu.memory_space<hbm>>
    %dma_start3A_4 = arith.constant 0 : i32
    %dma_start3A_5 = tpu.memref_slice %arg2[%mul3A_0, %dma_start3A_4] : memref<2048x16xf32, #tpu.memory_space<hbm>> -> memref<128x16xf32, #tpu.memory_space<hbm>>
    tpu.enqueue_dma source(%dma_start3A_5 : memref<128x16xf32, #tpu.memory_space<hbm>>) target(%arg4 : memref<128x16xf32, #tpu.memory_space<vmem>>) target_semaphore(%arg10 : memref<!tpu.dma_semaphore, #tpu.memory_space<semaphore_mem>>)
    %broadcast_in_dim3A = arith.constant 0.000000e+00 : f32
    %broadcast_in_dim3A_6 = vector.broadcast %broadcast_in_dim3A : f32 to vector<16xf32>
    %swap3A = arith.constant 0 : i32
    %swap3A_7 = arith.index_cast %swap3A : i32 to index
    %swap3A_8 = arith.constant 0 : index
    %swap3A_9 = tpu.vector_load %arg5[%swap3A_7, %swap3A_8] {strides = array<i32>} : memref<16x128xf32, #tpu.memory_space<vmem>>, vector<16xf32>,
    tpu.vector_store %arg5[%swap3A_7, %swap3A_8], %broadcast_in_dim3A_6 {strides = array<i32>} : memref<16x128xf32, #tpu.memory_space<vmem>>, vector<16xf32>,
    %swap3A_10 = arith.constant 0 : i32
    %swap3A_11 = arith.index_cast %swap3A_10 : i32 to index
    %swap3A_12 = arith.constant 16 : index
    %swap3A_13 = tpu.vector_load %arg5[%swap3A_11, %swap3A_12] {strides = array<i32>} : memref<16x128xf32, #tpu.memory_space<vmem>>, vector<16xf32>,
    tpu.vector_store %arg5[%swap3A_11, %swap3A_12], %broadcast_in_dim3A_6 {strides = array<i32>} : memref<16x128xf32, #tpu.memory_space<vmem>>, vector<16xf32>,
    %swap3A_14 = arith.constant 0 : i32
    %swap3A_15 = arith.index_cast %swap3A_14 : i32 to index
    %swap3A_16 = arith.constant 32 : index
    %swap3A_17 = tpu.vector_load %arg5[%swap3A_15, %swap3A_16] {strides = array<i32>} : memref<16x128xf32, #tpu.memory_space<vmem>>, vector<16xf32>,
    tpu.vector_store %arg5[%swap3A_15, %swap3A_16], %broadcast_in_dim3A_6 {strides = array<i32>} : memref<16x128xf32, #tpu.memory_space<vmem>>, vector<16xf32>,
    %swap3A_18 = arith.constant 0 : i32
    %swap3A_19 = arith.index_cast %swap3A_18 : i32 to index
    %swap3A_20 = arith.constant 48 : index
    %swap3A_21 = tpu.vector_load %arg5[%swap3A_19, %swap3A_20] {strides = array<i32>} : memref<16x128xf32, #tpu.memory_space<vmem>>, vector<16xf32>,
    tpu.vector_store %arg5[%swap3A_19, %swap3A_20], %broadcast_in_dim3A_6 {strides = array<i32>} : memref<16x128xf32, #tpu.memory_space<vmem>>, vector<16xf32>,
    %swap3A_22 = arith.constant 0 : i32
    %swap3A_23 = arith.index_cast %swap3A_22 : i32 to index
    %swap3A_24 = arith.constant 64 : index
    %swap3A_25 = tpu.vector_load %arg5[%swap3A_23, %swap3A_24] {strides = array<i32>} : memref<16x128xf32, #tpu.memory_space<vmem>>, vector<16xf32>,
    tpu.vector_store %arg5[%swap3A_23, %swap3A_24], %broadcast_in_dim3A_6 {strides = array<i32>} : memref<16x128xf32, #tpu.memory_space<vmem>>, vector<16xf32>,
    %swap3A_26 = arith.constant 0 : i32
    %swap3A_27 = arith.index_cast %swap3A_26 : i32 to index
    %swap3A_28 = arith.constant 80 : index
    %swap3A_29 = tpu.vector_load %arg5[%swap3A_27, %swap3A_28] {strides = array<i32>} : memref<16x128xf32, #tpu.memory_space<vmem>>, vector<16xf32>,
    tpu.vector_store %arg5[%swap3A_27, %swap3A_28], %broadcast_in_dim3A_6 {strides = array<i32>} : memref<16x128xf32, #tpu.memory_space<vmem>>, vector<16xf32>,
    %swap3A_30 = arith.constant 0 : i32
    %swap3A_31 = arith.index_cast %swap3A_30 : i32 to index
    %swap3A_32 = arith.constant 96 : index
    %swap3A_33 = tpu.vector_load %arg5[%swap3A_31, %swap3A_32] {strides = array<i32>} : memref<16x128xf32, #tpu.memory_space<vmem>>, vector<16xf32>,
    tpu.vector_store %arg5[%swap3A_31, %swap3A_32], %broadcast_in_dim3A_6 {strides = array<i32>} : memref<16x128xf32, #tpu.memory_space<vmem>>, vector<16xf32>,
    %swap3A_34 = arith.constant 0 : i32
    %swap3A_35 = arith.index_cast %swap3A_34 : i32 to index
    %swap3A_36 = arith.constant 112 : index
    %swap3A_37 = tpu.vector_load %arg5[%swap3A_35, %swap3A_36] {strides = array<i32>} : memref<16x128xf32, #tpu.memory_space<vmem>>, vector<16xf32>,
    tpu.vector_store %arg5[%swap3A_35, %swap3A_36], %broadcast_in_dim3A_6 {strides = array<i32>} : memref<16x128xf32, #tpu.memory_space<vmem>>, vector<16xf32>,
    %swap3A_38 = arith.constant 1 : i32
    %swap3A_39 = arith.index_cast %swap3A_38 : i32 to index
    %swap3A_40 = arith.constant 0 : index
    %swap3A_41 = tpu.vector_load %arg5[%swap3A_39, %swap3A_40] {strides = array<i32>} : memref<16x128xf32, #tpu.memory_space<vmem>>, vector<16xf32>,
    tpu.vector_store %arg5[%swap3A_39, %swap3A_40], %broadcast_in_dim3A_6 {strides = array<i32>} : memref<16x128xf32, #tpu.memory_space<vmem>>, vector<16xf32>,
    %swap3A_42 = arith.constant 1 : i32
    %swap3A_43 = arith.index_cast %swap3A_42 : i32 to index
    %swap3A_44 = arith.constant 16 : index
    %swap3A_45 = tpu.vector_load %arg5[%swap3A_43, %swap3A_44] {strides = array<i32>} : memref<16x128xf32, #tpu.memory_space<vmem>>, vector<16xf32>,
    tpu.vector_store %arg5[%swap3A_43, %swap3A_44], %broadcast_in_dim3A_6 {strides = array<i32>} : memref<16x128xf32, #tpu.memory_space<vmem>>, vector<16xf32>,
    %swap3A_46 = arith.constant 1 : i32
    %swap3A_47 = arith.index_cast %swap3A_46 : i32 to index
    %swap3A_48 = arith.constant 32 : index
    %swap3A_49 = tpu.vector_load %arg5[%swap3A_47, %swap3A_48] {strides = array<i32>} : memref<16x128xf32, #tpu.memory_space<vmem>>, vector<16xf32>,
    tpu.vector_store %arg5[%swap3A_47, %swap3A_48], %broadcast_in_dim3A_6 {strides = array<i32>} : memref<16x128xf32, #tpu.memory_space<vmem>>, vector<16xf32>,
    %swap3A_50 = arith.constant 1 : i32
    %swap3A_51 = arith.index_cast %swap3A_50 : i32 to index
    %swap3A_52 = arith.constant 48 : index
    %swap3A_53 = tpu.vector_load %arg5[%swap3A_51, %swap3A_52] {strides = array<i32>} : memref<16x128xf32, #tpu.memory_space<vmem>>, vector<16xf32>,
    tpu.vector_store %arg5[%swap3A_51, %swap3A_52], %broadcast_in_dim3A_6 {strides = array<i32>} : memref<16x128xf32, #tpu.memory_space<vmem>>, vector<16xf32>,
    %swap3A_54 = arith.constant 1 : i32
    %swap3A_55 = arith.index_cast %swap3A_54 : i32 to index
    %swap3A_56 = arith.constant 64 : index
    %swap3A_57 = tpu.vector_load %arg5[%swap3A_55, %swap3A_56] {strides = array<i32>} : memref<16x128xf32, #tpu.memory_space<vmem>>, vector<16xf32>,
    tpu.vector_store %arg5[%swap3A_55, %swap3A_56], %broadcast_in_dim3A_6 {strides = array<i32>} : memref<16x128xf32, #tpu.memory_space<vmem>>, vector<16xf32>,
    %swap3A_58 = arith.constant 1 : i32
    %swap3A_59 = arith.index_cast %swap3A_58 : i32 to index
    %swap3A_60 = arith.constant 80 : index
    %swap3A_61 = tpu.vector_load %arg5[%swap3A_59, %swap3A_60] {strides = array<i32>} : memref<16x128xf32, #tpu.memory_space<vmem>>, vector<16xf32>,
    tpu.vector_store %arg5[%swap3A_59, %swap3A_60], %broadcast_in_dim3A_6 {strides = array<i32>} : memref<16x128xf32, #tpu.memory_space<vmem>>, vector<16xf32>,
    %swap3A_62 = arith.constant 1 : i32
    %swap3A_63 = arith.index_cast %swap3A_62 : i32 to index
    %swap3A_64 = arith.constant 96 : index
    %swap3A_65 = tpu.vector_load %arg5[%swap3A_63, %swap3A_64] {strides = array<i32>} : memref<16x128xf32, #tpu.memory_space<vmem>>, vector<16xf32>,
    tpu.vector_store %arg5[%swap3A_63, %swap3A_64], %broadcast_in_dim3A_6 {strides = array<i32>} : memref<16x128xf32, #tpu.memory_space<vmem>>, vector<16xf32>,
    %swap3A_66 = arith.constant 1 : i32
    %swap3A_67 = arith.index_cast %swap3A_66 : i32 to index
    %swap3A_68 = arith.constant 112 : index
    %swap3A_69 = tpu.vector_load %arg5[%swap3A_67, %swap3A_68] {strides = array<i32>} : memref<16x128xf32, #tpu.memory_space<vmem>>, vector<16xf32>,
    tpu.vector_store %arg5[%swap3A_67, %swap3A_68], %broadcast_in_dim3A_6 {strides = array<i32>} : memref<16x128xf32, #tpu.memory_space<vmem>>, vector<16xf32>,
    %swap3A_70 = arith.constant 2 : i32
    %swap3A_71 = arith.index_cast %swap3A_70 : i32 to index
    %swap3A_72 = arith.constant 0 : index
    %swap3A_73 = tpu.vector_load %arg5[%swap3A_71, %swap3A_72] {strides = array<i32>} : memref<16x128xf32, #tpu.memory_space<vmem>>, vector<16xf32>,
    tpu.vector_store %arg5[%swap3A_71, %swap3A_72], %broadcast_in_dim3A_6 {strides = array<i32>} : memref<16x128xf32, #tpu.memory_space<vmem>>, vector<16xf32>,
    %swap3A_74 = arith.constant 2 : i32
    %swap3A_75 = arith.index_cast %swap3A_74 : i32 to index
    %swap3A_76 = arith.constant 16 : index
    %swap3A_77 = tpu.vector_load %arg5[%swap3A_75, %swap3A_76] {strides = array<i32>} : memref<16x128xf32, #tpu.memory_space<vmem>>, vector<16xf32>,
    tpu.vector_store %arg5[%swap3A_75, %swap3A_76], %broadcast_in_dim3A_6 {strides = array<i32>} : memref<16x128xf32, #tpu.memory_space<vmem>>, vector<16xf32>,
    %swap3A_78 = arith.constant 2 : i32
    %swap3A_79 = arith.index_cast %swap3A_78 : i32 to index
    %swap3A_80 = arith.constant 32 : index
    %swap3A_81 = tpu.vector_load %arg5[%swap3A_79, %swap3A_80] {strides = array<i32>} : memref<16x128xf32, #tpu.memory_space<vmem>>, vector<16xf32>,
    tpu.vector_store %arg5[%swap3A_79, %swap3A_80], %broadcast_in_dim3A_6 {strides = array<i32>} : memref<16x128xf32, #tpu.memory_space<vmem>>, vector<16xf32>,
    %swap3A_82 = arith.constant 2 : i32
    %swap3A_83 = arith.index_cast %swap3A_82 : i32 to index
    %swap3A_84 = arith.constant 48 : index
    %swap3A_85 = tpu.vector_load %arg5[%swap3A_83, %swap3A_84] {strides = array<i32>} : memref<16x128xf32, #tpu.memory_space<vmem>>, vector<16xf32>,
    tpu.vector_store %arg5[%swap3A_83, %swap3A_84], %broadcast_in_dim3A_6 {strides = array<i32>} : memref<16x128xf32, #tpu.memory_space<vmem>>, vector<16xf32>,
    %swap3A_86 = arith.constant 2 : i32
    %swap3A_87 = arith.index_cast %swap3A_86 : i32 to index
    %swap3A_88 = arith.constant 64 : index
    %swap3A_89 = tpu.vector_load %arg5[%swap3A_87, %swap3A_88] {strides = array<i32>} : memref<16x128xf32, #tpu.memory_space<vmem>>, vector<16xf32>,
    tpu.vector_store %arg5[%swap3A_87, %swap3A_88], %broadcast_in_dim3A_6 {strides = array<i32>} : memref<16x128xf32, #tpu.memory_space<vmem>>, vector<16xf32>,
    %swap3A_90 = arith.constant 2 : i32
    %swap3A_91 = arith.index_cast %swap3A_90 : i32 to index
    %swap3A_92 = arith.constant 80 : index
    %swap3A_93 = tpu.vector_load %arg5[%swap3A_91, %swap3A_92] {strides = array<i32>} : memref<16x128xf32, #tpu.memory_space<vmem>>, vector<16xf32>,
    tpu.vector_store %arg5[%swap3A_91, %swap3A_92], %broadcast_in_dim3A_6 {strides = array<i32>} : memref<16x128xf32, #tpu.memory_space<vmem>>, vector<16xf32>,
    %swap3A_94 = arith.constant 2 : i32
    %swap3A_95 = arith.index_cast %swap3A_94 : i32 to index
    %swap3A_96 = arith.constant 96 : index
    %swap3A_97 = tpu.vector_load %arg5[%swap3A_95, %swap3A_96] {strides = array<i32>} : memref<16x128xf32, #tpu.memory_space<vmem>>, vector<16xf32>,
    tpu.vector_store %arg5[%swap3A_95, %swap3A_96], %broadcast_in_dim3A_6 {strides = array<i32>} : memref<16x128xf32, #tpu.memory_space<vmem>>, vector<16xf32>,
    %swap3A_98 = arith.constant 2 : i32
    %swap3A_99 = arith.index_cast %swap3A_98 : i32 to index
    %swap3A_100 = arith.constant 112 : index
    %swap3A_101 = tpu.vector_load %arg5[%swap3A_99, %swap3A_100] {strides = array<i32>} : memref<16x128xf32, #tpu.memory_space<vmem>>, vector<16xf32>,
    tpu.vector_store %arg5[%swap3A_99, %swap3A_100], %broadcast_in_dim3A_6 {strides = array<i32>} : memref<16x128xf32, #tpu.memory_space<vmem>>, vector<16xf32>,
    %swap3A_102 = arith.constant 3 : i32
    %swap3A_103 = arith.index_cast %swap3A_102 : i32 to index
    %swap3A_104 = arith.constant 0 : index
    %swap3A_105 = tpu.vector_load %arg5[%swap3A_103, %swap3A_104] {strides = array<i32>} : memref<16x128xf32, #tpu.memory_space<vmem>>, vector<16xf32>,
    tpu.vector_store %arg5[%swap3A_103, %swap3A_104], %broadcast_in_dim3A_6 {strides = array<i32>} : memref<16x128xf32, #tpu.memory_space<vmem>>, vector<16xf32>,
    %swap3A_106 = arith.constant 3 : i32
    %swap3A_107 = arith.index_cast %swap3A_106 : i32 to index
    %swap3A_108 = arith.constant 16 : index
    %swap3A_109 = tpu.vector_load %arg5[%swap3A_107, %swap3A_108] {strides = array<i32>} : memref<16x128xf32, #tpu.memory_space<vmem>>, vector<16xf32>,
    tpu.vector_store %arg5[%swap3A_107, %swap3A_108], %broadcast_in_dim3A_6 {strides = array<i32>} : memref<16x128xf32, #tpu.memory_space<vmem>>, vector<16xf32>,
    %swap3A_110 = arith.constant 3 : i32
    %swap3A_111 = arith.index_cast %swap3A_110 : i32 to index
    %swap3A_112 = arith.constant 32 : index
    %swap3A_113 = tpu.vector_load %arg5[%swap3A_111, %swap3A_112] {strides = array<i32>} : memref<16x128xf32, #tpu.memory_space<vmem>>, vector<16xf32>,
    tpu.vector_store %arg5[%swap3A_111, %swap3A_112], %broadcast_in_dim3A_6 {strides = array<i32>} : memref<16x128xf32, #tpu.memory_space<vmem>>, vector<16xf32>,
    %swap3A_114 = arith.constant 3 : i32
    %swap3A_115 = arith.index_cast %swap3A_114 : i32 to index
    %swap3A_116 = arith.constant 48 : index
    %swap3A_117 = tpu.vector_load %arg5[%swap3A_115, %swap3A_116] {strides = array<i32>} : memref<16x128xf32, #tpu.memory_space<vmem>>, vector<16xf32>,
    tpu.vector_store %arg5[%swap3A_115, %swap3A_116], %broadcast_in_dim3A_6 {strides = array<i32>} : memref<16x128xf32, #tpu.memory_space<vmem>>, vector<16xf32>,
    %swap3A_118 = arith.constant 3 : i32
    %swap3A_119 = arith.index_cast %swap3A_118 : i32 to index
    %swap3A_120 = arith.constant 64 : index
    %swap3A_121 = tpu.vector_load %arg5[%swap3A_119, %swap3A_120] {strides = array<i32>} : memref<16x128xf32, #tpu.memory_space<vmem>>, vector<16xf32>,
    tpu.vector_store %arg5[%swap3A_119, %swap3A_120], %broadcast_in_dim3A_6 {strides = array<i32>} : memref<16x128xf32, #tpu.memory_space<vmem>>, vector<16xf32>,
    %swap3A_122 = arith.constant 3 : i32
    %swap3A_123 = arith.index_cast %swap3A_122 : i32 to index
    %swap3A_124 = arith.constant 80 : index
    %swap3A_125 = tpu.vector_load %arg5[%swap3A_123, %swap3A_124] {strides = array<i32>} : memref<16x128xf32, #tpu.memory_space<vmem>>, vector<16xf32>,
    tpu.vector_store %arg5[%swap3A_123, %swap3A_124], %broadcast_in_dim3A_6 {strides = array<i32>} : memref<16x128xf32, #tpu.memory_space<vmem>>, vector<16xf32>,
    %swap3A_126 = arith.constant 3 : i32
    %swap3A_127 = arith.index_cast %swap3A_126 : i32 to index
    %swap3A_128 = arith.constant 96 : index
    %swap3A_129 = tpu.vector_load %arg5[%swap3A_127, %swap3A_128] {strides = array<i32>} : memref<16x128xf32, #tpu.memory_space<vmem>>, vector<16xf32>,
    tpu.vector_store %arg5[%swap3A_127, %swap3A_128], %broadcast_in_dim3A_6 {strides = array<i32>} : memref<16x128xf32, #tpu.memory_space<vmem>>, vector<16xf32>,
    %swap3A_130 = arith.constant 3 : i32
    %swap3A_131 = arith.index_cast %swap3A_130 : i32 to index
    %swap3A_132 = arith.constant 112 : index
    %swap3A_133 = tpu.vector_load %arg5[%swap3A_131, %swap3A_132] {strides = array<i32>} : memref<16x128xf32, #tpu.memory_space<vmem>>, vector<16xf32>,
    tpu.vector_store %arg5[%swap3A_131, %swap3A_132], %broadcast_in_dim3A_6 {strides = array<i32>} : memref<16x128xf32, #tpu.memory_space<vmem>>, vector<16xf32>,
    %swap3A_134 = arith.constant 4 : i32
    %swap3A_135 = arith.index_cast %swap3A_134 : i32 to index
    %swap3A_136 = arith.constant 0 : index
    %swap3A_137 = tpu.vector_load %arg5[%swap3A_135, %swap3A_136] {strides = array<i32>} : memref<16x128xf32, #tpu.memory_space<vmem>>, vector<16xf32>,
    tpu.vector_store %arg5[%swap3A_135, %swap3A_136], %broadcast_in_dim3A_6 {strides = array<i32>} : memref<16x128xf32, #tpu.memory_space<vmem>>, vector<16xf32>,
    %swap3A_138 = arith.constant 4 : i32
    %swap3A_139 = arith.index_cast %swap3A_138 : i32 to index
    %swap3A_140 = arith.constant 16 : index
    %swap3A_141 = tpu.vector_load %arg5[%swap3A_139, %swap3A_140] {strides = array<i32>} : memref<16x128xf32, #tpu.memory_space<vmem>>, vector<16xf32>,
    tpu.vector_store %arg5[%swap3A_139, %swap3A_140], %broadcast_in_dim3A_6 {strides = array<i32>} : memref<16x128xf32, #tpu.memory_space<vmem>>, vector<16xf32>,
    %swap3A_142 = arith.constant 4 : i32
    %swap3A_143 = arith.index_cast %swap3A_142 : i32 to index
    %swap3A_144 = arith.constant 32 : index
    %swap3A_145 = tpu.vector_load %arg5[%swap3A_143, %swap3A_144] {strides = array<i32>} : memref<16x128xf32, #tpu.memory_space<vmem>>, vector<16xf32>,
    tpu.vector_store %arg5[%swap3A_143, %swap3A_144], %broadcast_in_dim3A_6 {strides = array<i32>} : memref<16x128xf32, #tpu.memory_space<vmem>>, vector<16xf32>,
    %swap3A_146 = arith.constant 4 : i32
    %swap3A_147 = arith.index_cast %swap3A_146 : i32 to index
    %swap3A_148 = arith.constant 48 : index
    %swap3A_149 = tpu.vector_load %arg5[%swap3A_147, %swap3A_148] {strides = array<i32>} : memref<16x128xf32, #tpu.memory_space<vmem>>, vector<16xf32>,
    tpu.vector_store %arg5[%swap3A_147, %swap3A_148], %broadcast_in_dim3A_6 {strides = array<i32>} : memref<16x128xf32, #tpu.memory_space<vmem>>, vector<16xf32>,
    %swap3A_150 = arith.constant 4 : i32
    %swap3A_151 = arith.index_cast %swap3A_150 : i32 to index
    %swap3A_152 = arith.constant 64 : index
    %swap3A_153 = tpu.vector_load %arg5[%swap3A_151, %swap3A_152] {strides = array<i32>} : memref<16x128xf32, #tpu.memory_space<vmem>>, vector<16xf32>,
    tpu.vector_store %arg5[%swap3A_151, %swap3A_152], %broadcast_in_dim3A_6 {strides = array<i32>} : memref<16x128xf32, #tpu.memory_space<vmem>>, vector<16xf32>,
    %swap3A_154 = arith.constant 4 : i32
    %swap3A_155 = arith.index_cast %swap3A_154 : i32 to index
    %swap3A_156 = arith.constant 80 : index
    %swap3A_157 = tpu.vector_load %arg5[%swap3A_155, %swap3A_156] {strides = array<i32>} : memref<16x128xf32, #tpu.memory_space<vmem>>, vector<16xf32>,
    tpu.vector_store %arg5[%swap3A_155, %swap3A_156], %broadcast_in_dim3A_6 {strides = array<i32>} : memref<16x128xf32, #tpu.memory_space<vmem>>, vector<16xf32>,
    %swap3A_158 = arith.constant 4 : i32
    %swap3A_159 = arith.index_cast %swap3A_158 : i32 to index
    %swap3A_160 = arith.constant 96 : index
    %swap3A_161 = tpu.vector_load %arg5[%swap3A_159, %swap3A_160] {strides = array<i32>} : memref<16x128xf32, #tpu.memory_space<vmem>>, vector<16xf32>,
    tpu.vector_store %arg5[%swap3A_159, %swap3A_160], %broadcast_in_dim3A_6 {strides = array<i32>} : memref<16x128xf32, #tpu.memory_space<vmem>>, vector<16xf32>,
    %swap3A_162 = arith.constant 4 : i32
    %swap3A_163 = arith.index_cast %swap3A_162 : i32 to index
    %swap3A_164 = arith.constant 112 : index
    %swap3A_165 = tpu.vector_load %arg5[%swap3A_163, %swap3A_164] {strides = array<i32>} : memref<16x128xf32, #tpu.memory_space<vmem>>, vector<16xf32>,
    tpu.vector_store %arg5[%swap3A_163, %swap3A_164], %broadcast_in_dim3A_6 {strides = array<i32>} : memref<16x128xf32, #tpu.memory_space<vmem>>, vector<16xf32>,
    %swap3A_166 = arith.constant 5 : i32
    %swap3A_167 = arith.index_cast %swap3A_166 : i32 to index
    %swap3A_168 = arith.constant 0 : index
    %swap3A_169 = tpu.vector_load %arg5[%swap3A_167, %swap3A_168] {strides = array<i32>} : memref<16x128xf32, #tpu.memory_space<vmem>>, vector<16xf32>,
    tpu.vector_store %arg5[%swap3A_167, %swap3A_168], %broadcast_in_dim3A_6 {strides = array<i32>} : memref<16x128xf32, #tpu.memory_space<vmem>>, vector<16xf32>,
    %swap3A_170 = arith.constant 5 : i32
    %swap3A_171 = arith.index_cast %swap3A_170 : i32 to index
    %swap3A_172 = arith.constant 16 : index
    %swap3A_173 = tpu.vector_load %arg5[%swap3A_171, %swap3A_172] {strides = array<i32>} : memref<16x128xf32, #tpu.memory_space<vmem>>, vector<16xf32>,
    tpu.vector_store %arg5[%swap3A_171, %swap3A_172], %broadcast_in_dim3A_6 {strides = array<i32>} : memref<16x128xf32, #tpu.memory_space<vmem>>, vector<16xf32>,
    %swap3A_174 = arith.constant 5 : i32
    %swap3A_175 = arith.index_cast %swap3A_174 : i32 to index
    %swap3A_176 = arith.constant 32 : index
    %swap3A_177 = tpu.vector_load %arg5[%swap3A_175, %swap3A_176] {strides = array<i32>} : memref<16x128xf32, #tpu.memory_space<vmem>>, vector<16xf32>,
    tpu.vector_store %arg5[%swap3A_175, %swap3A_176], %broadcast_in_dim3A_6 {strides = array<i32>} : memref<16x128xf32, #tpu.memory_space<vmem>>, vector<16xf32>,
    %swap3A_178 = arith.constant 5 : i32
    %swap3A_179 = arith.index_cast %swap3A_178 : i32 to index
    %swap3A_180 = arith.constant 48 : index
    %swap3A_181 = tpu.vector_load %arg5[%swap3A_179, %swap3A_180] {strides = array<i32>} : memref<16x128xf32, #tpu.memory_space<vmem>>, vector<16xf32>,
    tpu.vector_store %arg5[%swap3A_179, %swap3A_180], %broadcast_in_dim3A_6 {strides = array<i32>} : memref<16x128xf32, #tpu.memory_space<vmem>>, vector<16xf32>,
    %swap3A_182 = arith.constant 5 : i32
    %swap3A_183 = arith.index_cast %swap3A_182 : i32 to index
    %swap3A_184 = arith.constant 64 : index
    %swap3A_185 = tpu.vector_load %arg5[%swap3A_183, %swap3A_184] {strides = array<i32>} : memref<16x128xf32, #tpu.memory_space<vmem>>, vector<16xf32>,
    tpu.vector_store %arg5[%swap3A_183, %swap3A_184], %broadcast_in_dim3A_6 {strides = array<i32>} : memref<16x128xf32, #tpu.memory_space<vmem>>, vector<16xf32>,
    %swap3A_186 = arith.constant 5 : i32
    %swap3A_187 = arith.index_cast %swap3A_186 : i32 to index
    %swap3A_188 = arith.constant 80 : index
    %swap3A_189 = tpu.vector_load %arg5[%swap3A_187, %swap3A_188] {strides = array<i32>} : memref<16x128xf32, #tpu.memory_space<vmem>>, vector<16xf32>,
    tpu.vector_store %arg5[%swap3A_187, %swap3A_188], %broadcast_in_dim3A_6 {strides = array<i32>} : memref<16x128xf32, #tpu.memory_space<vmem>>, vector<16xf32>,
    %swap3A_190 = arith.constant 5 : i32
    %swap3A_191 = arith.index_cast %swap3A_190 : i32 to index
    %swap3A_192 = arith.constant 96 : index
    %swap3A_193 = tpu.vector_load %arg5[%swap3A_191, %swap3A_192] {strides = array<i32>} : memref<16x128xf32, #tpu.memory_space<vmem>>, vector<16xf32>,
    tpu.vector_store %arg5[%swap3A_191, %swap3A_192], %broadcast_in_dim3A_6 {strides = array<i32>} : memref<16x128xf32, #tpu.memory_space<vmem>>, vector<16xf32>,
    %swap3A_194 = arith.constant 5 : i32
    %swap3A_195 = arith.index_cast %swap3A_194 : i32 to index
    %swap3A_196 = arith.constant 112 : index
    %swap3A_197 = tpu.vector_load %arg5[%swap3A_195, %swap3A_196] {strides = array<i32>} : memref<16x128xf32, #tpu.memory_space<vmem>>, vector<16xf32>,
    tpu.vector_store %arg5[%swap3A_195, %swap3A_196], %broadcast_in_dim3A_6 {strides = array<i32>} : memref<16x128xf32, #tpu.memory_space<vmem>>, vector<16xf32>,
    %swap3A_198 = arith.constant 6 : i32
    %swap3A_199 = arith.index_cast %swap3A_198 : i32 to index
    %swap3A_200 = arith.constant 0 : index
    %swap3A_201 = tpu.vector_load %arg5[%swap3A_199, %swap3A_200] {strides = array<i32>} : memref<16x128xf32, #tpu.memory_space<vmem>>, vector<16xf32>,
    tpu.vector_store %arg5[%swap3A_199, %swap3A_200], %broadcast_in_dim3A_6 {strides = array<i32>} : memref<16x128xf32, #tpu.memory_space<vmem>>, vector<16xf32>,
    %swap3A_202 = arith.constant 6 : i32
    %swap3A_203 = arith.index_cast %swap3A_202 : i32 to index
    %swap3A_204 = arith.constant 16 : index
    %swap3A_205 = tpu.vector_load %arg5[%swap3A_203, %swap3A_204] {strides = array<i32>} : memref<16x128xf32, #tpu.memory_space<vmem>>, vector<16xf32>,
    tpu.vector_store %arg5[%swap3A_203, %swap3A_204], %broadcast_in_dim3A_6 {strides = array<i32>} : memref<16x128xf32, #tpu.memory_space<vmem>>, vector<16xf32>,
    %swap3A_206 = arith.constant 6 : i32
    %swap3A_207 = arith.index_cast %swap3A_206 : i32 to index
    %swap3A_208 = arith.constant 32 : index
    %swap3A_209 = tpu.vector_load %arg5[%swap3A_207, %swap3A_208] {strides = array<i32>} : memref<16x128xf32, #tpu.memory_space<vmem>>, vector<16xf32>,
    tpu.vector_store %arg5[%swap3A_207, %swap3A_208], %broadcast_in_dim3A_6 {strides = array<i32>} : memref<16x128xf32, #tpu.memory_space<vmem>>, vector<16xf32>,
    %swap3A_210 = arith.constant 6 : i32
    %swap3A_211 = arith.index_cast %swap3A_210 : i32 to index
    %swap3A_212 = arith.constant 48 : index
    %swap3A_213 = tpu.vector_load %arg5[%swap3A_211, %swap3A_212] {strides = array<i32>} : memref<16x128xf32, #tpu.memory_space<vmem>>, vector<16xf32>,
    tpu.vector_store %arg5[%swap3A_211, %swap3A_212], %broadcast_in_dim3A_6 {strides = array<i32>} : memref<16x128xf32, #tpu.memory_space<vmem>>, vector<16xf32>,
    %swap3A_214 = arith.constant 6 : i32
    %swap3A_215 = arith.index_cast %swap3A_214 : i32 to index
    %swap3A_216 = arith.constant 64 : index
    %swap3A_217 = tpu.vector_load %arg5[%swap3A_215, %swap3A_216] {strides = array<i32>} : memref<16x128xf32, #tpu.memory_space<vmem>>, vector<16xf32>,
    tpu.vector_store %arg5[%swap3A_215, %swap3A_216], %broadcast_in_dim3A_6 {strides = array<i32>} : memref<16x128xf32, #tpu.memory_space<vmem>>, vector<16xf32>,
    %swap3A_218 = arith.constant 6 : i32
    %swap3A_219 = arith.index_cast %swap3A_218 : i32 to index
    %swap3A_220 = arith.constant 80 : index
    %swap3A_221 = tpu.vector_load %arg5[%swap3A_219, %swap3A_220] {strides = array<i32>} : memref<16x128xf32, #tpu.memory_space<vmem>>, vector<16xf32>,
    tpu.vector_store %arg5[%swap3A_219, %swap3A_220], %broadcast_in_dim3A_6 {strides = array<i32>} : memref<16x128xf32, #tpu.memory_space<vmem>>, vector<16xf32>,
    %swap3A_222 = arith.constant 6 : i32
    %swap3A_223 = arith.index_cast %swap3A_222 : i32 to index
    %swap3A_224 = arith.constant 96 : index
    %swap3A_225 = tpu.vector_load %arg5[%swap3A_223, %swap3A_224] {strides = array<i32>} : memref<16x128xf32, #tpu.memory_space<vmem>>, vector<16xf32>,
    tpu.vector_store %arg5[%swap3A_223, %swap3A_224], %broadcast_in_dim3A_6 {strides = array<i32>} : memref<16x128xf32, #tpu.memory_space<vmem>>, vector<16xf32>,
    %swap3A_226 = arith.constant 6 : i32
    %swap3A_227 = arith.index_cast %swap3A_226 : i32 to index
    %swap3A_228 = arith.constant 112 : index
    %swap3A_229 = tpu.vector_load %arg5[%swap3A_227, %swap3A_228] {strides = array<i32>} : memref<16x128xf32, #tpu.memory_space<vmem>>, vector<16xf32>,
    tpu.vector_store %arg5[%swap3A_227, %swap3A_228], %broadcast_in_dim3A_6 {strides = array<i32>} : memref<16x128xf32, #tpu.memory_space<vmem>>, vector<16xf32>,
    %swap3A_230 = arith.constant 7 : i32
    %swap3A_231 = arith.index_cast %swap3A_230 : i32 to index
    %swap3A_232 = arith.constant 0 : index
    %swap3A_233 = tpu.vector_load %arg5[%swap3A_231, %swap3A_232] {strides = array<i32>} : memref<16x128xf32, #tpu.memory_space<vmem>>, vector<16xf32>,
    tpu.vector_store %arg5[%swap3A_231, %swap3A_232], %broadcast_in_dim3A_6 {strides = array<i32>} : memref<16x128xf32, #tpu.memory_space<vmem>>, vector<16xf32>,
    %swap3A_234 = arith.constant 7 : i32
    %swap3A_235 = arith.index_cast %swap3A_234 : i32 to index
    %swap3A_236 = arith.constant 16 : index
    %swap3A_237 = tpu.vector_load %arg5[%swap3A_235, %swap3A_236] {strides = array<i32>} : memref<16x128xf32, #tpu.memory_space<vmem>>, vector<16xf32>,
    tpu.vector_store %arg5[%swap3A_235, %swap3A_236], %broadcast_in_dim3A_6 {strides = array<i32>} : memref<16x128xf32, #tpu.memory_space<vmem>>, vector<16xf32>,
    %swap3A_238 = arith.constant 7 : i32
    %swap3A_239 = arith.index_cast %swap3A_238 : i32 to index
    %swap3A_240 = arith.constant 32 : index
    %swap3A_241 = tpu.vector_load %arg5[%swap3A_239, %swap3A_240] {strides = array<i32>} : memref<16x128xf32, #tpu.memory_space<vmem>>, vector<16xf32>,
    tpu.vector_store %arg5[%swap3A_239, %swap3A_240], %broadcast_in_dim3A_6 {strides = array<i32>} : memref<16x128xf32, #tpu.memory_space<vmem>>, vector<16xf32>,
    %swap3A_242 = arith.constant 7 : i32
    %swap3A_243 = arith.index_cast %swap3A_242 : i32 to index
    %swap3A_244 = arith.constant 48 : index
    %swap3A_245 = tpu.vector_load %arg5[%swap3A_243, %swap3A_244] {strides = array<i32>} : memref<16x128xf32, #tpu.memory_space<vmem>>, vector<16xf32>,
    tpu.vector_store %arg5[%swap3A_243, %swap3A_244], %broadcast_in_dim3A_6 {strides = array<i32>} : memref<16x128xf32, #tpu.memory_space<vmem>>, vector<16xf32>,
    %swap3A_246 = arith.constant 7 : i32
    %swap3A_247 = arith.index_cast %swap3A_246 : i32 to index
    %swap3A_248 = arith.constant 64 : index
    %swap3A_249 = tpu.vector_load %arg5[%swap3A_247, %swap3A_248] {strides = array<i32>} : memref<16x128xf32, #tpu.memory_space<vmem>>, vector<16xf32>,
    tpu.vector_store %arg5[%swap3A_247, %swap3A_248], %broadcast_in_dim3A_6 {strides = array<i32>} : memref<16x128xf32, #tpu.memory_space<vmem>>, vector<16xf32>,
    %swap3A_250 = arith.constant 7 : i32
    %swap3A_251 = arith.index_cast %swap3A_250 : i32 to index
    %swap3A_252 = arith.constant 80 : index
    %swap3A_253 = tpu.vector_load %arg5[%swap3A_251, %swap3A_252] {strides = array<i32>} : memref<16x128xf32, #tpu.memory_space<vmem>>, vector<16xf32>,
    tpu.vector_store %arg5[%swap3A_251, %swap3A_252], %broadcast_in_dim3A_6 {strides = array<i32>} : memref<16x128xf32, #tpu.memory_space<vmem>>, vector<16xf32>,
    %swap3A_254 = arith.constant 7 : i32
    %swap3A_255 = arith.index_cast %swap3A_254 : i32 to index
    %swap3A_256 = arith.constant 96 : index
    %swap3A_257 = tpu.vector_load %arg5[%swap3A_255, %swap3A_256] {strides = array<i32>} : memref<16x128xf32, #tpu.memory_space<vmem>>, vector<16xf32>,
    tpu.vector_store %arg5[%swap3A_255, %swap3A_256], %broadcast_in_dim3A_6 {strides = array<i32>} : memref<16x128xf32, #tpu.memory_space<vmem>>, vector<16xf32>,
    %swap3A_258 = arith.constant 7 : i32
    %swap3A_259 = arith.index_cast %swap3A_258 : i32 to index
    %swap3A_260 = arith.constant 112 : index
    %swap3A_261 = tpu.vector_load %arg5[%swap3A_259, %swap3A_260] {strides = array<i32>} : memref<16x128xf32, #tpu.memory_space<vmem>>, vector<16xf32>,
    tpu.vector_store %arg5[%swap3A_259, %swap3A_260], %broadcast_in_dim3A_6 {strides = array<i32>} : memref<16x128xf32, #tpu.memory_space<vmem>>, vector<16xf32>,
    %swap3A_262 = arith.constant 8 : i32
    %swap3A_263 = arith.index_cast %swap3A_262 : i32 to index
    %swap3A_264 = arith.constant 0 : index
    %swap3A_265 = tpu.vector_load %arg5[%swap3A_263, %swap3A_264] {strides = array<i32>} : memref<16x128xf32, #tpu.memory_space<vmem>>, vector<16xf32>,
    tpu.vector_store %arg5[%swap3A_263, %swap3A_264], %broadcast_in_dim3A_6 {strides = array<i32>} : memref<16x128xf32, #tpu.memory_space<vmem>>, vector<16xf32>,
    %swap3A_266 = arith.constant 8 : i32
    %swap3A_267 = arith.index_cast %swap3A_266 : i32 to index
    %swap3A_268 = arith.constant 16 : index
    %swap3A_269 = tpu.vector_load %arg5[%swap3A_267, %swap3A_268] {strides = array<i32>} : memref<16x128xf32, #tpu.memory_space<vmem>>, vector<16xf32>,
    tpu.vector_store %arg5[%swap3A_267, %swap3A_268], %broadcast_in_dim3A_6 {strides = array<i32>} : memref<16x128xf32, #tpu.memory_space<vmem>>, vector<16xf32>,
    %swap3A_270 = arith.constant 8 : i32
    %swap3A_271 = arith.index_cast %swap3A_270 : i32 to index
    %swap3A_272 = arith.constant 32 : index
    %swap3A_273 = tpu.vector_load %arg5[%swap3A_271, %swap3A_272] {strides = array<i32>} : memref<16x128xf32, #tpu.memory_space<vmem>>, vector<16xf32>,
    tpu.vector_store %arg5[%swap3A_271, %swap3A_272], %broadcast_in_dim3A_6 {strides = array<i32>} : memref<16x128xf32, #tpu.memory_space<vmem>>, vector<16xf32>,
    %swap3A_274 = arith.constant 8 : i32
    %swap3A_275 = arith.index_cast %swap3A_274 : i32 to index
    %swap3A_276 = arith.constant 48 : index
    %swap3A_277 = tpu.vector_load %arg5[%swap3A_275, %swap3A_276] {strides = array<i32>} : memref<16x128xf32, #tpu.memory_space<vmem>>, vector<16xf32>,
    tpu.vector_store %arg5[%swap3A_275, %swap3A_276], %broadcast_in_dim3A_6 {strides = array<i32>} : memref<16x128xf32, #tpu.memory_space<vmem>>, vector<16xf32>,
    %swap3A_278 = arith.constant 8 : i32
    %swap3A_279 = arith.index_cast %swap3A_278 : i32 to index
    %swap3A_280 = arith.constant 64 : index
    %swap3A_281 = tpu.vector_load %arg5[%swap3A_279, %swap3A_280] {strides = array<i32>} : memref<16x128xf32, #tpu.memory_space<vmem>>, vector<16xf32>,
    tpu.vector_store %arg5[%swap3A_279, %swap3A_280], %broadcast_in_dim3A_6 {strides = array<i32>} : memref<16x128xf32, #tpu.memory_space<vmem>>, vector<16xf32>,
    %swap3A_282 = arith.constant 8 : i32
    %swap3A_283 = arith.index_cast %swap3A_282 : i32 to index
    %swap3A_284 = arith.constant 80 : index
    %swap3A_285 = tpu.vector_load %arg5[%swap3A_283, %swap3A_284] {strides = array<i32>} : memref<16x128xf32, #tpu.memory_space<vmem>>, vector<16xf32>,
    tpu.vector_store %arg5[%swap3A_283, %swap3A_284], %broadcast_in_dim3A_6 {strides = array<i32>} : memref<16x128xf32, #tpu.memory_space<vmem>>, vector<16xf32>,
    %swap3A_286 = arith.constant 8 : i32
    %swap3A_287 = arith.index_cast %swap3A_286 : i32 to index
    %swap3A_288 = arith.constant 96 : index
    %swap3A_289 = tpu.vector_load %arg5[%swap3A_287, %swap3A_288] {strides = array<i32>} : memref<16x128xf32, #tpu.memory_space<vmem>>, vector<16xf32>,
    tpu.vector_store %arg5[%swap3A_287, %swap3A_288], %broadcast_in_dim3A_6 {strides = array<i32>} : memref<16x128xf32, #tpu.memory_space<vmem>>, vector<16xf32>,
    %swap3A_290 = arith.constant 8 : i32
    %swap3A_291 = arith.index_cast %swap3A_290 : i32 to index
    %swap3A_292 = arith.constant 112 : index
    %swap3A_293 = tpu.vector_load %arg5[%swap3A_291, %swap3A_292] {strides = array<i32>} : memref<16x128xf32, #tpu.memory_space<vmem>>, vector<16xf32>,
    tpu.vector_store %arg5[%swap3A_291, %swap3A_292], %broadcast_in_dim3A_6 {strides = array<i32>} : memref<16x128xf32, #tpu.memory_space<vmem>>, vector<16xf32>,
    %swap3A_294 = arith.constant 9 : i32
    %swap3A_295 = arith.index_cast %swap3A_294 : i32 to index
    %swap3A_296 = arith.constant 0 : index
    %swap3A_297 = tpu.vector_load %arg5[%swap3A_295, %swap3A_296] {strides = array<i32>} : memref<16x128xf32, #tpu.memory_space<vmem>>, vector<16xf32>,
    tpu.vector_store %arg5[%swap3A_295, %swap3A_296], %broadcast_in_dim3A_6 {strides = array<i32>} : memref<16x128xf32, #tpu.memory_space<vmem>>, vector<16xf32>,
    %swap3A_298 = arith.constant 9 : i32
    %swap3A_299 = arith.index_cast %swap3A_298 : i32 to index
    %swap3A_300 = arith.constant 16 : index
    %swap3A_301 = tpu.vector_load %arg5[%swap3A_299, %swap3A_300] {strides = array<i32>} : memref<16x128xf32, #tpu.memory_space<vmem>>, vector<16xf32>,
    tpu.vector_store %arg5[%swap3A_299, %swap3A_300], %broadcast_in_dim3A_6 {strides = array<i32>} : memref<16x128xf32, #tpu.memory_space<vmem>>, vector<16xf32>,
    %swap3A_302 = arith.constant 9 : i32
    %swap3A_303 = arith.index_cast %swap3A_302 : i32 to index
    %swap3A_304 = arith.constant 32 : index
    %swap3A_305 = tpu.vector_load %arg5[%swap3A_303, %swap3A_304] {strides = array<i32>} : memref<16x128xf32, #tpu.memory_space<vmem>>, vector<16xf32>,
    tpu.vector_store %arg5[%swap3A_303, %swap3A_304], %broadcast_in_dim3A_6 {strides = array<i32>} : memref<16x128xf32, #tpu.memory_space<vmem>>, vector<16xf32>,
    %swap3A_306 = arith.constant 9 : i32
    %swap3A_307 = arith.index_cast %swap3A_306 : i32 to index
    %swap3A_308 = arith.constant 48 : index
    %swap3A_309 = tpu.vector_load %arg5[%swap3A_307, %swap3A_308] {strides = array<i32>} : memref<16x128xf32, #tpu.memory_space<vmem>>, vector<16xf32>,
    tpu.vector_store %arg5[%swap3A_307, %swap3A_308], %broadcast_in_dim3A_6 {strides = array<i32>} : memref<16x128xf32, #tpu.memory_space<vmem>>, vector<16xf32>,
    %swap3A_310 = arith.constant 9 : i32
    %swap3A_311 = arith.index_cast %swap3A_310 : i32 to index
    %swap3A_312 = arith.constant 64 : index
    %swap3A_313 = tpu.vector_load %arg5[%swap3A_311, %swap3A_312] {strides = array<i32>} : memref<16x128xf32, #tpu.memory_space<vmem>>, vector<16xf32>,
    tpu.vector_store %arg5[%swap3A_311, %swap3A_312], %broadcast_in_dim3A_6 {strides = array<i32>} : memref<16x128xf32, #tpu.memory_space<vmem>>, vector<16xf32>,
    %swap3A_314 = arith.constant 9 : i32
    %swap3A_315 = arith.index_cast %swap3A_314 : i32 to index
    %swap3A_316 = arith.constant 80 : index
    %swap3A_317 = tpu.vector_load %arg5[%swap3A_315, %swap3A_316] {strides = array<i32>} : memref<16x128xf32, #tpu.memory_space<vmem>>, vector<16xf32>,
    tpu.vector_store %arg5[%swap3A_315, %swap3A_316], %broadcast_in_dim3A_6 {strides = array<i32>} : memref<16x128xf32, #tpu.memory_space<vmem>>, vector<16xf32>,
    %swap3A_318 = arith.constant 9 : i32
    %swap3A_319 = arith.index_cast %swap3A_318 : i32 to index
    %swap3A_320 = arith.constant 96 : index
    %swap3A_321 = tpu.vector_load %arg5[%swap3A_319, %swap3A_320] {strides = array<i32>} : memref<16x128xf32, #tpu.memory_space<vmem>>, vector<16xf32>,
    tpu.vector_store %arg5[%swap3A_319, %swap3A_320], %broadcast_in_dim3A_6 {strides = array<i32>} : memref<16x128xf32, #tpu.memory_space<vmem>>, vector<16xf32>,
    %swap3A_322 = arith.constant 9 : i32
    %swap3A_323 = arith.index_cast %swap3A_322 : i32 to index
    %swap3A_324 = arith.constant 112 : index
    %swap3A_325 = tpu.vector_load %arg5[%swap3A_323, %swap3A_324] {strides = array<i32>} : memref<16x128xf32, #tpu.memory_space<vmem>>, vector<16xf32>,
    tpu.vector_store %arg5[%swap3A_323, %swap3A_324], %broadcast_in_dim3A_6 {strides = array<i32>} : memref<16x128xf32, #tpu.memory_space<vmem>>, vector<16xf32>,
    %swap3A_326 = arith.constant 10 : i32
    %swap3A_327 = arith.index_cast %swap3A_326 : i32 to index
    %swap3A_328 = arith.constant 0 : index
    %swap3A_329 = tpu.vector_load %arg5[%swap3A_327, %swap3A_328] {strides = array<i32>} : memref<16x128xf32, #tpu.memory_space<vmem>>, vector<16xf32>,
    tpu.vector_store %arg5[%swap3A_327, %swap3A_328], %broadcast_in_dim3A_6 {strides = array<i32>} : memref<16x128xf32, #tpu.memory_space<vmem>>, vector<16xf32>,
    %swap3A_330 = arith.constant 10 : i32
    %swap3A_331 = arith.index_cast %swap3A_330 : i32 to index
    %swap3A_332 = arith.constant 16 : index
    %swap3A_333 = tpu.vector_load %arg5[%swap3A_331, %swap3A_332] {strides = array<i32>} : memref<16x128xf32, #tpu.memory_space<vmem>>, vector<16xf32>,
    tpu.vector_store %arg5[%swap3A_331, %swap3A_332], %broadcast_in_dim3A_6 {strides = array<i32>} : memref<16x128xf32, #tpu.memory_space<vmem>>, vector<16xf32>,
    %swap3A_334 = arith.constant 10 : i32
    %swap3A_335 = arith.index_cast %swap3A_334 : i32 to index
    %swap3A_336 = arith.constant 32 : index
    %swap3A_337 = tpu.vector_load %arg5[%swap3A_335, %swap3A_336] {strides = array<i32>} : memref<16x128xf32, #tpu.memory_space<vmem>>, vector<16xf32>,
    tpu.vector_store %arg5[%swap3A_335, %swap3A_336], %broadcast_in_dim3A_6 {strides = array<i32>} : memref<16x128xf32, #tpu.memory_space<vmem>>, vector<16xf32>,
    %swap3A_338 = arith.constant 10 : i32
    %swap3A_339 = arith.index_cast %swap3A_338 : i32 to index
    %swap3A_340 = arith.constant 48 : index
    %swap3A_341 = tpu.vector_load %arg5[%swap3A_339, %swap3A_340] {strides = array<i32>} : memref<16x128xf32, #tpu.memory_space<vmem>>, vector<16xf32>,
    tpu.vector_store %arg5[%swap3A_339, %swap3A_340], %broadcast_in_dim3A_6 {strides = array<i32>} : memref<16x128xf32, #tpu.memory_space<vmem>>, vector<16xf32>,
    %swap3A_342 = arith.constant 10 : i32
    %swap3A_343 = arith.index_cast %swap3A_342 : i32 to index
    %swap3A_344 = arith.constant 64 : index
    %swap3A_345 = tpu.vector_load %arg5[%swap3A_343, %swap3A_344] {strides = array<i32>} : memref<16x128xf32, #tpu.memory_space<vmem>>, vector<16xf32>,
    tpu.vector_store %arg5[%swap3A_343, %swap3A_344], %broadcast_in_dim3A_6 {strides = array<i32>} : memref<16x128xf32, #tpu.memory_space<vmem>>, vector<16xf32>,
    %swap3A_346 = arith.constant 10 : i32
    %swap3A_347 = arith.index_cast %swap3A_346 : i32 to index
    %swap3A_348 = arith.constant 80 : index
    %swap3A_349 = tpu.vector_load %arg5[%swap3A_347, %swap3A_348] {strides = array<i32>} : memref<16x128xf32, #tpu.memory_space<vmem>>, vector<16xf32>,
    tpu.vector_store %arg5[%swap3A_347, %swap3A_348], %broadcast_in_dim3A_6 {strides = array<i32>} : memref<16x128xf32, #tpu.memory_space<vmem>>, vector<16xf32>,
    %swap3A_350 = arith.constant 10 : i32
    %swap3A_351 = arith.index_cast %swap3A_350 : i32 to index
    %swap3A_352 = arith.constant 96 : index
    %swap3A_353 = tpu.vector_load %arg5[%swap3A_351, %swap3A_352] {strides = array<i32>} : memref<16x128xf32, #tpu.memory_space<vmem>>, vector<16xf32>,
    tpu.vector_store %arg5[%swap3A_351, %swap3A_352], %broadcast_in_dim3A_6 {strides = array<i32>} : memref<16x128xf32, #tpu.memory_space<vmem>>, vector<16xf32>,
    %swap3A_354 = arith.constant 10 : i32
    %swap3A_355 = arith.index_cast %swap3A_354 : i32 to index
    %swap3A_356 = arith.constant 112 : index
    %swap3A_357 = tpu.vector_load %arg5[%swap3A_355, %swap3A_356] {strides = array<i32>} : memref<16x128xf32, #tpu.memory_space<vmem>>, vector<16xf32>,
    tpu.vector_store %arg5[%swap3A_355, %swap3A_356], %broadcast_in_dim3A_6 {strides = array<i32>} : memref<16x128xf32, #tpu.memory_space<vmem>>, vector<16xf32>,
    %swap3A_358 = arith.constant 11 : i32
    %swap3A_359 = arith.index_cast %swap3A_358 : i32 to index
    %swap3A_360 = arith.constant 0 : index
    %swap3A_361 = tpu.vector_load %arg5[%swap3A_359, %swap3A_360] {strides = array<i32>} : memref<16x128xf32, #tpu.memory_space<vmem>>, vector<16xf32>,
    tpu.vector_store %arg5[%swap3A_359, %swap3A_360], %broadcast_in_dim3A_6 {strides = array<i32>} : memref<16x128xf32, #tpu.memory_space<vmem>>, vector<16xf32>,
    %swap3A_362 = arith.constant 11 : i32
    %swap3A_363 = arith.index_cast %swap3A_362 : i32 to index
    %swap3A_364 = arith.constant 16 : index
    %swap3A_365 = tpu.vector_load %arg5[%swap3A_363, %swap3A_364] {strides = array<i32>} : memref<16x128xf32, #tpu.memory_space<vmem>>, vector<16xf32>,
    tpu.vector_store %arg5[%swap3A_363, %swap3A_364], %broadcast_in_dim3A_6 {strides = array<i32>} : memref<16x128xf32, #tpu.memory_space<vmem>>, vector<16xf32>,
    %swap3A_366 = arith.constant 11 : i32
    %swap3A_367 = arith.index_cast %swap3A_366 : i32 to index
    %swap3A_368 = arith.constant 32 : index
    %swap3A_369 = tpu.vector_load %arg5[%swap3A_367, %swap3A_368] {strides = array<i32>} : memref<16x128xf32, #tpu.memory_space<vmem>>, vector<16xf32>,
    tpu.vector_store %arg5[%swap3A_367, %swap3A_368], %broadcast_in_dim3A_6 {strides = array<i32>} : memref<16x128xf32, #tpu.memory_space<vmem>>, vector<16xf32>,
    %swap3A_370 = arith.constant 11 : i32
    %swap3A_371 = arith.index_cast %swap3A_370 : i32 to index
    %swap3A_372 = arith.constant 48 : index
    %swap3A_373 = tpu.vector_load %arg5[%swap3A_371, %swap3A_372] {strides = array<i32>} : memref<16x128xf32, #tpu.memory_space<vmem>>, vector<16xf32>,
    tpu.vector_store %arg5[%swap3A_371, %swap3A_372], %broadcast_in_dim3A_6 {strides = array<i32>} : memref<16x128xf32, #tpu.memory_space<vmem>>, vector<16xf32>,
    %swap3A_374 = arith.constant 11 : i32
    %swap3A_375 = arith.index_cast %swap3A_374 : i32 to index
    %swap3A_376 = arith.constant 64 : index
    %swap3A_377 = tpu.vector_load %arg5[%swap3A_375, %swap3A_376] {strides = array<i32>} : memref<16x128xf32, #tpu.memory_space<vmem>>, vector<16xf32>,
    tpu.vector_store %arg5[%swap3A_375, %swap3A_376], %broadcast_in_dim3A_6 {strides = array<i32>} : memref<16x128xf32, #tpu.memory_space<vmem>>, vector<16xf32>,
    %swap3A_378 = arith.constant 11 : i32
    %swap3A_379 = arith.index_cast %swap3A_378 : i32 to index
    %swap3A_380 = arith.constant 80 : index
    %swap3A_381 = tpu.vector_load %arg5[%swap3A_379, %swap3A_380] {strides = array<i32>} : memref<16x128xf32, #tpu.memory_space<vmem>>, vector<16xf32>,
    tpu.vector_store %arg5[%swap3A_379, %swap3A_380], %broadcast_in_dim3A_6 {strides = array<i32>} : memref<16x128xf32, #tpu.memory_space<vmem>>, vector<16xf32>,
    %swap3A_382 = arith.constant 11 : i32
    %swap3A_383 = arith.index_cast %swap3A_382 : i32 to index
    %swap3A_384 = arith.constant 96 : index
    %swap3A_385 = tpu.vector_load %arg5[%swap3A_383, %swap3A_384] {strides = array<i32>} : memref<16x128xf32, #tpu.memory_space<vmem>>, vector<16xf32>,
    tpu.vector_store %arg5[%swap3A_383, %swap3A_384], %broadcast_in_dim3A_6 {strides = array<i32>} : memref<16x128xf32, #tpu.memory_space<vmem>>, vector<16xf32>,
    %swap3A_386 = arith.constant 11 : i32
    %swap3A_387 = arith.index_cast %swap3A_386 : i32 to index
    %swap3A_388 = arith.constant 112 : index
    %swap3A_389 = tpu.vector_load %arg5[%swap3A_387, %swap3A_388] {strides = array<i32>} : memref<16x128xf32, #tpu.memory_space<vmem>>, vector<16xf32>,
    tpu.vector_store %arg5[%swap3A_387, %swap3A_388], %broadcast_in_dim3A_6 {strides = array<i32>} : memref<16x128xf32, #tpu.memory_space<vmem>>, vector<16xf32>,
    %swap3A_390 = arith.constant 12 : i32
    %swap3A_391 = arith.index_cast %swap3A_390 : i32 to index
    %swap3A_392 = arith.constant 0 : index
    %swap3A_393 = tpu.vector_load %arg5[%swap3A_391, %swap3A_392] {strides = array<i32>} : memref<16x128xf32, #tpu.memory_space<vmem>>, vector<16xf32>,
    tpu.vector_store %arg5[%swap3A_391, %swap3A_392], %broadcast_in_dim3A_6 {strides = array<i32>} : memref<16x128xf32, #tpu.memory_space<vmem>>, vector<16xf32>,
    %swap3A_394 = arith.constant 12 : i32
    %swap3A_395 = arith.index_cast %swap3A_394 : i32 to index
    %swap3A_396 = arith.constant 16 : index
    %swap3A_397 = tpu.vector_load %arg5[%swap3A_395, %swap3A_396] {strides = array<i32>} : memref<16x128xf32, #tpu.memory_space<vmem>>, vector<16xf32>,
    tpu.vector_store %arg5[%swap3A_395, %swap3A_396], %broadcast_in_dim3A_6 {strides = array<i32>} : memref<16x128xf32, #tpu.memory_space<vmem>>, vector<16xf32>,
    %swap3A_398 = arith.constant 12 : i32
    %swap3A_399 = arith.index_cast %swap3A_398 : i32 to index
    %swap3A_400 = arith.constant 32 : index
    %swap3A_401 = tpu.vector_load %arg5[%swap3A_399, %swap3A_400] {strides = array<i32>} : memref<16x128xf32, #tpu.memory_space<vmem>>, vector<16xf32>,
    tpu.vector_store %arg5[%swap3A_399, %swap3A_400], %broadcast_in_dim3A_6 {strides = array<i32>} : memref<16x128xf32, #tpu.memory_space<vmem>>, vector<16xf32>,
    %swap3A_402 = arith.constant 12 : i32
    %swap3A_403 = arith.index_cast %swap3A_402 : i32 to index
    %swap3A_404 = arith.constant 48 : index
    %swap3A_405 = tpu.vector_load %arg5[%swap3A_403, %swap3A_404] {strides = array<i32>} : memref<16x128xf32, #tpu.memory_space<vmem>>, vector<16xf32>,
    tpu.vector_store %arg5[%swap3A_403, %swap3A_404], %broadcast_in_dim3A_6 {strides = array<i32>} : memref<16x128xf32, #tpu.memory_space<vmem>>, vector<16xf32>,
    %swap3A_406 = arith.constant 12 : i32
    %swap3A_407 = arith.index_cast %swap3A_406 : i32 to index
    %swap3A_408 = arith.constant 64 : index
    %swap3A_409 = tpu.vector_load %arg5[%swap3A_407, %swap3A_408] {strides = array<i32>} : memref<16x128xf32, #tpu.memory_space<vmem>>, vector<16xf32>,
    tpu.vector_store %arg5[%swap3A_407, %swap3A_408], %broadcast_in_dim3A_6 {strides = array<i32>} : memref<16x128xf32, #tpu.memory_space<vmem>>, vector<16xf32>,
    %swap3A_410 = arith.constant 12 : i32
    %swap3A_411 = arith.index_cast %swap3A_410 : i32 to index
    %swap3A_412 = arith.constant 80 : index
    %swap3A_413 = tpu.vector_load %arg5[%swap3A_411, %swap3A_412] {strides = array<i32>} : memref<16x128xf32, #tpu.memory_space<vmem>>, vector<16xf32>,
    tpu.vector_store %arg5[%swap3A_411, %swap3A_412], %broadcast_in_dim3A_6 {strides = array<i32>} : memref<16x128xf32, #tpu.memory_space<vmem>>, vector<16xf32>,
    %swap3A_414 = arith.constant 12 : i32
    %swap3A_415 = arith.index_cast %swap3A_414 : i32 to index
    %swap3A_416 = arith.constant 96 : index
    %swap3A_417 = tpu.vector_load %arg5[%swap3A_415, %swap3A_416] {strides = array<i32>} : memref<16x128xf32, #tpu.memory_space<vmem>>, vector<16xf32>,
    tpu.vector_store %arg5[%swap3A_415, %swap3A_416], %broadcast_in_dim3A_6 {strides = array<i32>} : memref<16x128xf32, #tpu.memory_space<vmem>>, vector<16xf32>,
    %swap3A_418 = arith.constant 12 : i32
    %swap3A_419 = arith.index_cast %swap3A_418 : i32 to index
    %swap3A_420 = arith.constant 112 : index
    %swap3A_421 = tpu.vector_load %arg5[%swap3A_419, %swap3A_420] {strides = array<i32>} : memref<16x128xf32, #tpu.memory_space<vmem>>, vector<16xf32>,
    tpu.vector_store %arg5[%swap3A_419, %swap3A_420], %broadcast_in_dim3A_6 {strides = array<i32>} : memref<16x128xf32, #tpu.memory_space<vmem>>, vector<16xf32>,
    %swap3A_422 = arith.constant 13 : i32
    %swap3A_423 = arith.index_cast %swap3A_422 : i32 to index
    %swap3A_424 = arith.constant 0 : index
    %swap3A_425 = tpu.vector_load %arg5[%swap3A_423, %swap3A_424] {strides = array<i32>} : memref<16x128xf32, #tpu.memory_space<vmem>>, vector<16xf32>,
    tpu.vector_store %arg5[%swap3A_423, %swap3A_424], %broadcast_in_dim3A_6 {strides = array<i32>} : memref<16x128xf32, #tpu.memory_space<vmem>>, vector<16xf32>,
    %swap3A_426 = arith.constant 13 : i32
    %swap3A_427 = arith.index_cast %swap3A_426 : i32 to index
    %swap3A_428 = arith.constant 16 : index
    %swap3A_429 = tpu.vector_load %arg5[%swap3A_427, %swap3A_428] {strides = array<i32>} : memref<16x128xf32, #tpu.memory_space<vmem>>, vector<16xf32>,
    tpu.vector_store %arg5[%swap3A_427, %swap3A_428], %broadcast_in_dim3A_6 {strides = array<i32>} : memref<16x128xf32, #tpu.memory_space<vmem>>, vector<16xf32>,
    %swap3A_430 = arith.constant 13 : i32
    %swap3A_431 = arith.index_cast %swap3A_430 : i32 to index
    %swap3A_432 = arith.constant 32 : index
    %swap3A_433 = tpu.vector_load %arg5[%swap3A_431, %swap3A_432] {strides = array<i32>} : memref<16x128xf32, #tpu.memory_space<vmem>>, vector<16xf32>,
    tpu.vector_store %arg5[%swap3A_431, %swap3A_432], %broadcast_in_dim3A_6 {strides = array<i32>} : memref<16x128xf32, #tpu.memory_space<vmem>>, vector<16xf32>,
    %swap3A_434 = arith.constant 13 : i32
    %swap3A_435 = arith.index_cast %swap3A_434 : i32 to index
    %swap3A_436 = arith.constant 48 : index
    %swap3A_437 = tpu.vector_load %arg5[%swap3A_435, %swap3A_436] {strides = array<i32>} : memref<16x128xf32, #tpu.memory_space<vmem>>, vector<16xf32>,
    tpu.vector_store %arg5[%swap3A_435, %swap3A_436], %broadcast_in_dim3A_6 {strides = array<i32>} : memref<16x128xf32, #tpu.memory_space<vmem>>, vector<16xf32>,
    %swap3A_438 = arith.constant 13 : i32
    %swap3A_439 = arith.index_cast %swap3A_438 : i32 to index
    %swap3A_440 = arith.constant 64 : index
    %swap3A_441 = tpu.vector_load %arg5[%swap3A_439, %swap3A_440] {strides = array<i32>} : memref<16x128xf32, #tpu.memory_space<vmem>>, vector<16xf32>,
    tpu.vector_store %arg5[%swap3A_439, %swap3A_440], %broadcast_in_dim3A_6 {strides = array<i32>} : memref<16x128xf32, #tpu.memory_space<vmem>>, vector<16xf32>,
    %swap3A_442 = arith.constant 13 : i32
    %swap3A_443 = arith.index_cast %swap3A_442 : i32 to index
    %swap3A_444 = arith.constant 80 : index
    %swap3A_445 = tpu.vector_load %arg5[%swap3A_443, %swap3A_444] {strides = array<i32>} : memref<16x128xf32, #tpu.memory_space<vmem>>, vector<16xf32>,
    tpu.vector_store %arg5[%swap3A_443, %swap3A_444], %broadcast_in_dim3A_6 {strides = array<i32>} : memref<16x128xf32, #tpu.memory_space<vmem>>, vector<16xf32>,
    %swap3A_446 = arith.constant 13 : i32
    %swap3A_447 = arith.index_cast %swap3A_446 : i32 to index
    %swap3A_448 = arith.constant 96 : index
    %swap3A_449 = tpu.vector_load %arg5[%swap3A_447, %swap3A_448] {strides = array<i32>} : memref<16x128xf32, #tpu.memory_space<vmem>>, vector<16xf32>,
    tpu.vector_store %arg5[%swap3A_447, %swap3A_448], %broadcast_in_dim3A_6 {strides = array<i32>} : memref<16x128xf32, #tpu.memory_space<vmem>>, vector<16xf32>,
    %swap3A_450 = arith.constant 13 : i32
    %swap3A_451 = arith.index_cast %swap3A_450 : i32 to index
    %swap3A_452 = arith.constant 112 : index
    %swap3A_453 = tpu.vector_load %arg5[%swap3A_451, %swap3A_452] {strides = array<i32>} : memref<16x128xf32, #tpu.memory_space<vmem>>, vector<16xf32>,
    tpu.vector_store %arg5[%swap3A_451, %swap3A_452], %broadcast_in_dim3A_6 {strides = array<i32>} : memref<16x128xf32, #tpu.memory_space<vmem>>, vector<16xf32>,
    %swap3A_454 = arith.constant 14 : i32
    %swap3A_455 = arith.index_cast %swap3A_454 : i32 to index
    %swap3A_456 = arith.constant 0 : index
    %swap3A_457 = tpu.vector_load %arg5[%swap3A_455, %swap3A_456] {strides = array<i32>} : memref<16x128xf32, #tpu.memory_space<vmem>>, vector<16xf32>,
    tpu.vector_store %arg5[%swap3A_455, %swap3A_456], %broadcast_in_dim3A_6 {strides = array<i32>} : memref<16x128xf32, #tpu.memory_space<vmem>>, vector<16xf32>,
    %swap3A_458 = arith.constant 14 : i32
    %swap3A_459 = arith.index_cast %swap3A_458 : i32 to index
    %swap3A_460 = arith.constant 16 : index
    %swap3A_461 = tpu.vector_load %arg5[%swap3A_459, %swap3A_460] {strides = array<i32>} : memref<16x128xf32, #tpu.memory_space<vmem>>, vector<16xf32>,
    tpu.vector_store %arg5[%swap3A_459, %swap3A_460], %broadcast_in_dim3A_6 {strides = array<i32>} : memref<16x128xf32, #tpu.memory_space<vmem>>, vector<16xf32>,
    %swap3A_462 = arith.constant 14 : i32
    %swap3A_463 = arith.index_cast %swap3A_462 : i32 to index
    %swap3A_464 = arith.constant 32 : index
    %swap3A_465 = tpu.vector_load %arg5[%swap3A_463, %swap3A_464] {strides = array<i32>} : memref<16x128xf32, #tpu.memory_space<vmem>>, vector<16xf32>,
    tpu.vector_store %arg5[%swap3A_463, %swap3A_464], %broadcast_in_dim3A_6 {strides = array<i32>} : memref<16x128xf32, #tpu.memory_space<vmem>>, vector<16xf32>,
    %swap3A_466 = arith.constant 14 : i32
    %swap3A_467 = arith.index_cast %swap3A_466 : i32 to index
    %swap3A_468 = arith.constant 48 : index
    %swap3A_469 = tpu.vector_load %arg5[%swap3A_467, %swap3A_468] {strides = array<i32>} : memref<16x128xf32, #tpu.memory_space<vmem>>, vector<16xf32>,
    tpu.vector_store %arg5[%swap3A_467, %swap3A_468], %broadcast_in_dim3A_6 {strides = array<i32>} : memref<16x128xf32, #tpu.memory_space<vmem>>, vector<16xf32>,
    %swap3A_470 = arith.constant 14 : i32
    %swap3A_471 = arith.index_cast %swap3A_470 : i32 to index
    %swap3A_472 = arith.constant 64 : index
    %swap3A_473 = tpu.vector_load %arg5[%swap3A_471, %swap3A_472] {strides = array<i32>} : memref<16x128xf32, #tpu.memory_space<vmem>>, vector<16xf32>,
    tpu.vector_store %arg5[%swap3A_471, %swap3A_472], %broadcast_in_dim3A_6 {strides = array<i32>} : memref<16x128xf32, #tpu.memory_space<vmem>>, vector<16xf32>,
    %swap3A_474 = arith.constant 14 : i32
    %swap3A_475 = arith.index_cast %swap3A_474 : i32 to index
    %swap3A_476 = arith.constant 80 : index
    %swap3A_477 = tpu.vector_load %arg5[%swap3A_475, %swap3A_476] {strides = array<i32>} : memref<16x128xf32, #tpu.memory_space<vmem>>, vector<16xf32>,
    tpu.vector_store %arg5[%swap3A_475, %swap3A_476], %broadcast_in_dim3A_6 {strides = array<i32>} : memref<16x128xf32, #tpu.memory_space<vmem>>, vector<16xf32>,
    %swap3A_478 = arith.constant 14 : i32
    %swap3A_479 = arith.index_cast %swap3A_478 : i32 to index
    %swap3A_480 = arith.constant 96 : index
    %swap3A_481 = tpu.vector_load %arg5[%swap3A_479, %swap3A_480] {strides = array<i32>} : memref<16x128xf32, #tpu.memory_space<vmem>>, vector<16xf32>,
    tpu.vector_store %arg5[%swap3A_479, %swap3A_480], %broadcast_in_dim3A_6 {strides = array<i32>} : memref<16x128xf32, #tpu.memory_space<vmem>>, vector<16xf32>,
    %swap3A_482 = arith.constant 14 : i32
    %swap3A_483 = arith.index_cast %swap3A_482 : i32 to index
    %swap3A_484 = arith.constant 112 : index
    %swap3A_485 = tpu.vector_load %arg5[%swap3A_483, %swap3A_484] {strides = array<i32>} : memref<16x128xf32, #tpu.memory_space<vmem>>, vector<16xf32>,
    tpu.vector_store %arg5[%swap3A_483, %swap3A_484], %broadcast_in_dim3A_6 {strides = array<i32>} : memref<16x128xf32, #tpu.memory_space<vmem>>, vector<16xf32>,
    %swap3A_486 = arith.constant 15 : i32
    %swap3A_487 = arith.index_cast %swap3A_486 : i32 to index
    %swap3A_488 = arith.constant 0 : index
    %swap3A_489 = tpu.vector_load %arg5[%swap3A_487, %swap3A_488] {strides = array<i32>} : memref<16x128xf32, #tpu.memory_space<vmem>>, vector<16xf32>,
    tpu.vector_store %arg5[%swap3A_487, %swap3A_488], %broadcast_in_dim3A_6 {strides = array<i32>} : memref<16x128xf32, #tpu.memory_space<vmem>>, vector<16xf32>,
    %swap3A_490 = arith.constant 15 : i32
    %swap3A_491 = arith.index_cast %swap3A_490 : i32 to index
    %swap3A_492 = arith.constant 16 : index
    %swap3A_493 = tpu.vector_load %arg5[%swap3A_491, %swap3A_492] {strides = array<i32>} : memref<16x128xf32, #tpu.memory_space<vmem>>, vector<16xf32>,
    tpu.vector_store %arg5[%swap3A_491, %swap3A_492], %broadcast_in_dim3A_6 {strides = array<i32>} : memref<16x128xf32, #tpu.memory_space<vmem>>, vector<16xf32>,
    %swap3A_494 = arith.constant 15 : i32
    %swap3A_495 = arith.index_cast %swap3A_494 : i32 to index
    %swap3A_496 = arith.constant 32 : index
    %swap3A_497 = tpu.vector_load %arg5[%swap3A_495, %swap3A_496] {strides = array<i32>} : memref<16x128xf32, #tpu.memory_space<vmem>>, vector<16xf32>,
    tpu.vector_store %arg5[%swap3A_495, %swap3A_496], %broadcast_in_dim3A_6 {strides = array<i32>} : memref<16x128xf32, #tpu.memory_space<vmem>>, vector<16xf32>,
    %swap3A_498 = arith.constant 15 : i32
    %swap3A_499 = arith.index_cast %swap3A_498 : i32 to index
    %swap3A_500 = arith.constant 48 : index
    %swap3A_501 = tpu.vector_load %arg5[%swap3A_499, %swap3A_500] {strides = array<i32>} : memref<16x128xf32, #tpu.memory_space<vmem>>, vector<16xf32>,
    tpu.vector_store %arg5[%swap3A_499, %swap3A_500], %broadcast_in_dim3A_6 {strides = array<i32>} : memref<16x128xf32, #tpu.memory_space<vmem>>, vector<16xf32>,
    %swap3A_502 = arith.constant 15 : i32
    %swap3A_503 = arith.index_cast %swap3A_502 : i32 to index
    %swap3A_504 = arith.constant 64 : index
    %swap3A_505 = tpu.vector_load %arg5[%swap3A_503, %swap3A_504] {strides = array<i32>} : memref<16x128xf32, #tpu.memory_space<vmem>>, vector<16xf32>,
    tpu.vector_store %arg5[%swap3A_503, %swap3A_504], %broadcast_in_dim3A_6 {strides = array<i32>} : memref<16x128xf32, #tpu.memory_space<vmem>>, vector<16xf32>,
    %swap3A_506 = arith.constant 15 : i32
    %swap3A_507 = arith.index_cast %swap3A_506 : i32 to index
    %swap3A_508 = arith.constant 80 : index
    %swap3A_509 = tpu.vector_load %arg5[%swap3A_507, %swap3A_508] {strides = array<i32>} : memref<16x128xf32, #tpu.memory_space<vmem>>, vector<16xf32>,
    tpu.vector_store %arg5[%swap3A_507, %swap3A_508], %broadcast_in_dim3A_6 {strides = array<i32>} : memref<16x128xf32, #tpu.memory_space<vmem>>, vector<16xf32>,
    %swap3A_510 = arith.constant 15 : i32
    %swap3A_511 = arith.index_cast %swap3A_510 : i32 to index
    %swap3A_512 = arith.constant 96 : index
    %swap3A_513 = tpu.vector_load %arg5[%swap3A_511, %swap3A_512] {strides = array<i32>} : memref<16x128xf32, #tpu.memory_space<vmem>>, vector<16xf32>,
    tpu.vector_store %arg5[%swap3A_511, %swap3A_512], %broadcast_in_dim3A_6 {strides = array<i32>} : memref<16x128xf32, #tpu.memory_space<vmem>>, vector<16xf32>,
    %swap3A_514 = arith.constant 15 : i32
    %swap3A_515 = arith.index_cast %swap3A_514 : i32 to index
    %swap3A_516 = arith.constant 112 : index
    %swap3A_517 = tpu.vector_load %arg5[%swap3A_515, %swap3A_516] {strides = array<i32>} : memref<16x128xf32, #tpu.memory_space<vmem>>, vector<16xf32>,
    tpu.vector_store %arg5[%swap3A_515, %swap3A_516], %broadcast_in_dim3A_6 {strides = array<i32>} : memref<16x128xf32, #tpu.memory_space<vmem>>, vector<16xf32>,
    %dma_start3A_518 = arith.constant 0 : i32
    %dma_start3A_519 = tpu.memref_slice %arg3[%mul3A_2, %dma_start3A_518] : memref<256x128xf32, #tpu.memory_space<hbm>> -> memref<16x128xf32, #tpu.memory_space<hbm>>
    %dma_start3A_520 = arith.constant 0 : i32
    %dma_start3A_521 = tpu.memref_slice %arg3[%mul3A_2, %dma_start3A_520] : memref<256x128xf32, #tpu.memory_space<hbm>> -> memref<16x128xf32, #tpu.memory_space<hbm>>
    tpu.enqueue_dma source(%arg5 : memref<16x128xf32, #tpu.memory_space<vmem>>) target(%dma_start3A_521 : memref<16x128xf32, #tpu.memory_space<hbm>>) target_semaphore(%arg11 : memref<!tpu.dma_semaphore, #tpu.memory_space<semaphore_mem>>)
    %dma_wait3A = arith.constant 0 : i32
    %dma_wait3A_522 = tpu.memref_slice %arg2[%mul3A_0, %dma_wait3A] : memref<2048x16xf32, #tpu.memory_space<hbm>> -> memref<128x16xf32, #tpu.memory_space<hbm>>
    %dma_wait3A_523 = arith.constant 0 : i32
    %dma_wait3A_524 = tpu.memref_slice %arg2[%mul3A_0, %dma_wait3A_523] : memref<2048x16xf32, #tpu.memory_space<hbm>> -> memref<128x16xf32, #tpu.memory_space<hbm>>
    tpu.wait_dma2 semaphore(%arg10 : memref<!tpu.dma_semaphore, #tpu.memory_space<semaphore_mem>>) src(%dma_wait3A_524 : memref<128x16xf32, #tpu.memory_space<hbm>>) dst(%arg4 : memref<128x16xf32, #tpu.memory_space<vmem>>)
    %iota3A = tpu.iota {dimensions = array<i32: 0>} : vector<16xi32>
    %broadcast_in_dim3A_525 = arith.constant 0xFF800000 : f32
    %broadcast_in_dim3A_526 = vector.broadcast %broadcast_in_dim3A_525 : f32 to vector<16xf32>
    %broadcast_in_dim3A_527 = arith.constant 0 : i32
    %broadcast_in_dim3A_528 = vector.broadcast %broadcast_in_dim3A_527 : i32 to vector<16xi32>
    %mul3A_529 = arith.constant 16 : i32
    %mul3A_530 = arith.muli %mul3A_0, %mul3A_529 : i32
    %add3A = vector.broadcast %mul3A_530 : i32 to vector<16xi32>
    %add3A_531 = arith.addi %iota3A, %add3A : vector<16xi32>
    %scan3A = arith.constant 0 : i32
    %scan3A_532 = arith.constant 16 : i32
    %scan3A_533 = arith.addi %scan3A, %scan3A_532 : i32
    %scan3A_534 = arith.constant 1 : i32
    %scan3A_535:3 = scf.for %scan3A_811 = %scan3A to %scan3A_533 step %scan3A_534 iter_args(%scan3A_812 = %broadcast_in_dim3A_526, %scan3A_813 = %broadcast_in_dim3A_528, %scan3A_814 = %add3A_531) -> (vector<16xf32>, vector<16xi32>, vector<16xi32>)  : i32 {
      %mul3A_815 = arith.constant 8 : i32
      %mul3A_816 = arith.muli %scan3A_811, %mul3A_815 : i32
      %add3A_817 = arith.constant 0 : i32
      %add3A_818 = arith.addi %mul3A_816, %add3A_817 : i32
      %get3A_819 = arith.index_cast %add3A_818 : i32 to index
      %get3A_820 = arith.constant 0 : index
      %get3A_821 = tpu.vector_load %arg4[%get3A_819, %get3A_820] {strides = array<i32>} : memref<128x16xf32, #tpu.memory_space<vmem>>, vector<16xf32>,
      %add3A_822 = arith.constant 0 : i32
      %add3A_823 = vector.broadcast %add3A_822 : i32 to vector<16xi32>
      %add3A_824 = arith.addi %scan3A_814, %add3A_823 : vector<16xi32>
      %gt3A_825 = arith.cmpf ogt, %get3A_821, %scan3A_812 : vector<16xf32>
      %select_n3A_826 = arith.select %gt3A_825, %get3A_821, %scan3A_812 : vector<16xi1>, vector<16xf32>
      %select_n3A_827 = arith.select %gt3A_825, %add3A_824, %scan3A_813 : vector<16xi1>, vector<16xi32>
      %add3A_828 = arith.constant 1 : i32
      %add3A_829 = arith.addi %mul3A_816, %add3A_828 : i32
      %get3A_830 = arith.index_cast %add3A_829 : i32 to index
      %get3A_831 = arith.constant 0 : index
      %get3A_832 = tpu.vector_load %arg4[%get3A_830, %get3A_831] {strides = array<i32>} : memref<128x16xf32, #tpu.memory_space<vmem>>, vector<16xf32>,
      %add3A_833 = arith.constant 16 : i32
      %add3A_834 = vector.broadcast %add3A_833 : i32 to vector<16xi32>
      %add3A_835 = arith.addi %scan3A_814, %add3A_834 : vector<16xi32>
      %gt3A_836 = arith.cmpf ogt, %get3A_832, %select_n3A_826 : vector<16xf32>
      %select_n3A_837 = arith.select %gt3A_836, %get3A_832, %select_n3A_826 : vector<16xi1>, vector<16xf32>
      %select_n3A_838 = arith.select %gt3A_836, %add3A_835, %select_n3A_827 : vector<16xi1>, vector<16xi32>
      %add3A_839 = arith.constant 2 : i32
      %add3A_840 = arith.addi %mul3A_816, %add3A_839 : i32
      %get3A_841 = arith.index_cast %add3A_840 : i32 to index
      %get3A_842 = arith.constant 0 : index
      %get3A_843 = tpu.vector_load %arg4[%get3A_841, %get3A_842] {strides = array<i32>} : memref<128x16xf32, #tpu.memory_space<vmem>>, vector<16xf32>,
      %add3A_844 = arith.constant 32 : i32
      %add3A_845 = vector.broadcast %add3A_844 : i32 to vector<16xi32>
      %add3A_846 = arith.addi %scan3A_814, %add3A_845 : vector<16xi32>
      %gt3A_847 = arith.cmpf ogt, %get3A_843, %select_n3A_837 : vector<16xf32>
      %select_n3A_848 = arith.select %gt3A_847, %get3A_843, %select_n3A_837 : vector<16xi1>, vector<16xf32>
      %select_n3A_849 = arith.select %gt3A_847, %add3A_846, %select_n3A_838 : vector<16xi1>, vector<16xi32>
      %add3A_850 = arith.constant 3 : i32
      %add3A_851 = arith.addi %mul3A_816, %add3A_850 : i32
      %get3A_852 = arith.index_cast %add3A_851 : i32 to index
      %get3A_853 = arith.constant 0 : index
      %get3A_854 = tpu.vector_load %arg4[%get3A_852, %get3A_853] {strides = array<i32>} : memref<128x16xf32, #tpu.memory_space<vmem>>, vector<16xf32>,
      %add3A_855 = arith.constant 48 : i32
      %add3A_856 = vector.broadcast %add3A_855 : i32 to vector<16xi32>
      %add3A_857 = arith.addi %scan3A_814, %add3A_856 : vector<16xi32>
      %gt3A_858 = arith.cmpf ogt, %get3A_854, %select_n3A_848 : vector<16xf32>
      %select_n3A_859 = arith.select %gt3A_858, %get3A_854, %select_n3A_848 : vector<16xi1>, vector<16xf32>
      %select_n3A_860 = arith.select %gt3A_858, %add3A_857, %select_n3A_849 : vector<16xi1>, vector<16xi32>
      %add3A_861 = arith.constant 4 : i32
      %add3A_862 = arith.addi %mul3A_816, %add3A_861 : i32
      %get3A_863 = arith.index_cast %add3A_862 : i32 to index
      %get3A_864 = arith.constant 0 : index
      %get3A_865 = tpu.vector_load %arg4[%get3A_863, %get3A_864] {strides = array<i32>} : memref<128x16xf32, #tpu.memory_space<vmem>>, vector<16xf32>,
      %add3A_866 = arith.constant 64 : i32
      %add3A_867 = vector.broadcast %add3A_866 : i32 to vector<16xi32>
      %add3A_868 = arith.addi %scan3A_814, %add3A_867 : vector<16xi32>
      %gt3A_869 = arith.cmpf ogt, %get3A_865, %select_n3A_859 : vector<16xf32>
      %select_n3A_870 = arith.select %gt3A_869, %get3A_865, %select_n3A_859 : vector<16xi1>, vector<16xf32>
      %select_n3A_871 = arith.select %gt3A_869, %add3A_868, %select_n3A_860 : vector<16xi1>, vector<16xi32>
      %add3A_872 = arith.constant 5 : i32
      %add3A_873 = arith.addi %mul3A_816, %add3A_872 : i32
      %get3A_874 = arith.index_cast %add3A_873 : i32 to index
      %get3A_875 = arith.constant 0 : index
      %get3A_876 = tpu.vector_load %arg4[%get3A_874, %get3A_875] {strides = array<i32>} : memref<128x16xf32, #tpu.memory_space<vmem>>, vector<16xf32>,
      %add3A_877 = arith.constant 80 : i32
      %add3A_878 = vector.broadcast %add3A_877 : i32 to vector<16xi32>
      %add3A_879 = arith.addi %scan3A_814, %add3A_878 : vector<16xi32>
      %gt3A_880 = arith.cmpf ogt, %get3A_876, %select_n3A_870 : vector<16xf32>
      %select_n3A_881 = arith.select %gt3A_880, %get3A_876, %select_n3A_870 : vector<16xi1>, vector<16xf32>
      %select_n3A_882 = arith.select %gt3A_880, %add3A_879, %select_n3A_871 : vector<16xi1>, vector<16xi32>
      %add3A_883 = arith.constant 6 : i32
      %add3A_884 = arith.addi %mul3A_816, %add3A_883 : i32
      %get3A_885 = arith.index_cast %add3A_884 : i32 to index
      %get3A_886 = arith.constant 0 : index
      %get3A_887 = tpu.vector_load %arg4[%get3A_885, %get3A_886] {strides = array<i32>} : memref<128x16xf32, #tpu.memory_space<vmem>>, vector<16xf32>,
      %add3A_888 = arith.constant 96 : i32
      %add3A_889 = vector.broadcast %add3A_888 : i32 to vector<16xi32>
      %add3A_890 = arith.addi %scan3A_814, %add3A_889 : vector<16xi32>
      %gt3A_891 = arith.cmpf ogt, %get3A_887, %select_n3A_881 : vector<16xf32>
      %select_n3A_892 = arith.select %gt3A_891, %get3A_887, %select_n3A_881 : vector<16xi1>, vector<16xf32>
      %select_n3A_893 = arith.select %gt3A_891, %add3A_890, %select_n3A_882 : vector<16xi1>, vector<16xi32>
      %add3A_894 = arith.constant 7 : i32
      %add3A_895 = arith.addi %mul3A_816, %add3A_894 : i32
      %get3A_896 = arith.index_cast %add3A_895 : i32 to index
      %get3A_897 = arith.constant 0 : index
      %get3A_898 = tpu.vector_load %arg4[%get3A_896, %get3A_897] {strides = array<i32>} : memref<128x16xf32, #tpu.memory_space<vmem>>, vector<16xf32>,
      %add3A_899 = arith.constant 112 : i32
      %add3A_900 = vector.broadcast %add3A_899 : i32 to vector<16xi32>
      %add3A_901 = arith.addi %scan3A_814, %add3A_900 : vector<16xi32>
      %gt3A_902 = arith.cmpf ogt, %get3A_898, %select_n3A_892 : vector<16xf32>
      %select_n3A_903 = arith.select %gt3A_902, %get3A_898, %select_n3A_892 : vector<16xi1>, vector<16xf32>
      %select_n3A_904 = arith.select %gt3A_902, %add3A_901, %select_n3A_893 : vector<16xi1>, vector<16xi32>
      %add3A_905 = arith.constant 128 : i32
      %add3A_906 = vector.broadcast %add3A_905 : i32 to vector<16xi32>
      %add3A_907 = arith.addi %scan3A_814, %add3A_906 : vector<16xi32>
      scf.yield %select_n3A_903, %select_n3A_904, %add3A_907 : vector<16xf32>, vector<16xi32>, vector<16xi32>
    }
    %scan3A_536 = arith.constant 16 : i32
    %swap3A_537 = arith.constant 0 : i32
    %swap3A_538 = arith.index_cast %swap3A_537 : i32 to index
    %swap3A_539 = arith.constant 0 : index
    %swap3A_540 = tpu.vector_load %arg6[%swap3A_538, %swap3A_539] {strides = array<i32>} : memref<2x16xf32, #tpu.memory_space<vmem>>, vector<16xf32>,
    tpu.vector_store %arg6[%swap3A_538, %swap3A_539], %scan3A_535#0 {strides = array<i32>} : memref<2x16xf32, #tpu.memory_space<vmem>>, vector<16xf32>,
    %bitcast3A = vector.bitcast %scan3A_535#1 : vector<16xi32> to vector<16xf32>
    %swap3A_541 = arith.constant 1 : i32
    %swap3A_542 = arith.index_cast %swap3A_541 : i32 to index
    %swap3A_543 = arith.constant 0 : index
    %swap3A_544 = tpu.vector_load %arg6[%swap3A_542, %swap3A_543] {strides = array<i32>} : memref<2x16xf32, #tpu.memory_space<vmem>>, vector<16xf32>,
    tpu.vector_store %arg6[%swap3A_542, %swap3A_543], %bitcast3A {strides = array<i32>} : memref<2x16xf32, #tpu.memory_space<vmem>>, vector<16xf32>,
    %mul3A_545 = arith.constant 2 : i32
    %mul3A_546 = arith.muli %mul3A_545, %arg1 : i32
    %add3A_547 = arith.constant 32 : i32
    %add3A_548 = arith.addi %add3A_547, %mul3A_546 : i32
    "tpu.region"() ({
      %run_scoped3A = tpu.sem_alloc : memref<!tpu.dma_semaphore, #tpu.memory_space<semaphore_mem>>
      %dma_start3A_811 = arith.constant 0 : i32
      %dma_start3A_812 = tpu.memref_slice %arg12[%add3A_548, %dma_start3A_811] : memref<64x16xf32, #tpu.memory_space<vmem_shared>> -> memref<2x16xf32, #tpu.memory_space<vmem_shared>>
      %dma_start3A_813 = arith.constant 0 : i32
      %dma_start3A_814 = tpu.memref_slice %arg12[%add3A_548, %dma_start3A_813] : memref<64x16xf32, #tpu.memory_space<vmem_shared>> -> memref<2x16xf32, #tpu.memory_space<vmem_shared>>
      tpu.enqueue_dma source(%arg6 : memref<2x16xf32, #tpu.memory_space<vmem>>) target(%dma_start3A_814 : memref<2x16xf32, #tpu.memory_space<vmem_shared>>) target_semaphore(%run_scoped3A : memref<!tpu.dma_semaphore, #tpu.memory_space<semaphore_mem>>)
      %dma_wait3A_815 = arith.constant 0 : i32
      %dma_wait3A_816 = tpu.memref_slice %arg12[%add3A_548, %dma_wait3A_815] : memref<64x16xf32, #tpu.memory_space<vmem_shared>> -> memref<2x16xf32, #tpu.memory_space<vmem_shared>>
      %dma_wait3A_817 = arith.constant 0 : i32
      %dma_wait3A_818 = tpu.memref_slice %arg12[%add3A_548, %dma_wait3A_817] : memref<64x16xf32, #tpu.memory_space<vmem_shared>> -> memref<2x16xf32, #tpu.memory_space<vmem_shared>>
      tpu.wait_dma2 semaphore(%run_scoped3A : memref<!tpu.dma_semaphore, #tpu.memory_space<semaphore_mem>>) src(%arg6 : memref<2x16xf32, #tpu.memory_space<vmem>>) dst(%dma_wait3A_818 : memref<2x16xf32, #tpu.memory_space<vmem_shared>>)
      tpu.yield
    }) : () -> ()
    %barrier3A = arith.constant 0 : index
    tpu.barrier barrier_id(%barrier3A)
    "tpu.region"() ({
      %run_scoped3A = tpu.sem_alloc : memref<!tpu.dma_semaphore, #tpu.memory_space<semaphore_mem>>
      %dma_start3A_811 = arith.constant 32 : i32
      %dma_start3A_812 = arith.constant 0 : i32
      %dma_start3A_813 = tpu.memref_slice %arg12[%dma_start3A_811, %dma_start3A_812] : memref<64x16xf32, #tpu.memory_space<vmem_shared>> -> memref<32x16xf32, #tpu.memory_space<vmem_shared>>
      %dma_start3A_814 = arith.constant 32 : i32
      %dma_start3A_815 = arith.constant 0 : i32
      %dma_start3A_816 = tpu.memref_slice %arg12[%dma_start3A_814, %dma_start3A_815] : memref<64x16xf32, #tpu.memory_space<vmem_shared>> -> memref<32x16xf32, #tpu.memory_space<vmem_shared>>
      tpu.enqueue_dma source(%dma_start3A_816 : memref<32x16xf32, #tpu.memory_space<vmem_shared>>) target(%arg9 : memref<32x16xf32, #tpu.memory_space<vmem>>) target_semaphore(%run_scoped3A : memref<!tpu.dma_semaphore, #tpu.memory_space<semaphore_mem>>)
      %dma_wait3A_817 = arith.constant 32 : i32
      %dma_wait3A_818 = arith.constant 0 : i32
      %dma_wait3A_819 = tpu.memref_slice %arg12[%dma_wait3A_817, %dma_wait3A_818] : memref<64x16xf32, #tpu.memory_space<vmem_shared>> -> memref<32x16xf32, #tpu.memory_space<vmem_shared>>
      %dma_wait3A_820 = arith.constant 32 : i32
      %dma_wait3A_821 = arith.constant 0 : i32
      %dma_wait3A_822 = tpu.memref_slice %arg12[%dma_wait3A_820, %dma_wait3A_821] : memref<64x16xf32, #tpu.memory_space<vmem_shared>> -> memref<32x16xf32, #tpu.memory_space<vmem_shared>>
      tpu.wait_dma2 semaphore(%run_scoped3A : memref<!tpu.dma_semaphore, #tpu.memory_space<semaphore_mem>>) src(%dma_wait3A_822 : memref<32x16xf32, #tpu.memory_space<vmem_shared>>) dst(%arg9 : memref<32x16xf32, #tpu.memory_space<vmem>>)
      tpu.yield
    }) : () -> ()
    %broadcast_in_dim3A_549 = arith.constant 0xFF800000 : f32
    %broadcast_in_dim3A_550 = vector.broadcast %broadcast_in_dim3A_549 : f32 to vector<16xf32>
    %broadcast_in_dim3A_551 = arith.constant 0 : i32
    %broadcast_in_dim3A_552 = vector.broadcast %broadcast_in_dim3A_551 : i32 to vector<16xi32>
    %get3A = arith.constant 0 : i32
    %get3A_553 = arith.index_cast %get3A : i32 to index
    %get3A_554 = arith.constant 0 : index
    %get3A_555 = tpu.vector_load %arg9[%get3A_553, %get3A_554] {strides = array<i32>} : memref<32x16xf32, #tpu.memory_space<vmem>>, vector<16xf32>,
    %get3A_556 = arith.constant 1 : i32
    %get3A_557 = arith.index_cast %get3A_556 : i32 to index
    %get3A_558 = arith.constant 0 : index
    %get3A_559 = tpu.vector_load %arg9[%get3A_557, %get3A_558] {strides = array<i32>} : memref<32x16xf32, #tpu.memory_space<vmem>>, vector<16xf32>,
    %bitcast3A_560 = vector.bitcast %get3A_559 : vector<16xf32> to vector<16xi32>
    %gt3A = arith.cmpf ogt, %get3A_555, %broadcast_in_dim3A_550 : vector<16xf32>
    %select_n3A = arith.select %gt3A, %get3A_555, %broadcast_in_dim3A_550 : vector<16xi1>, vector<16xf32>
    %select_n3A_561 = arith.select %gt3A, %bitcast3A_560, %broadcast_in_dim3A_552 : vector<16xi1>, vector<16xi32>
    %get3A_562 = arith.constant 2 : i32
    %get3A_563 = arith.index_cast %get3A_562 : i32 to index
    %get3A_564 = arith.constant 0 : index
    %get3A_565 = tpu.vector_load %arg9[%get3A_563, %get3A_564] {strides = array<i32>} : memref<32x16xf32, #tpu.memory_space<vmem>>, vector<16xf32>,
    %get3A_566 = arith.constant 3 : i32
    %get3A_567 = arith.index_cast %get3A_566 : i32 to index
    %get3A_568 = arith.constant 0 : index
    %get3A_569 = tpu.vector_load %arg9[%get3A_567, %get3A_568] {strides = array<i32>} : memref<32x16xf32, #tpu.memory_space<vmem>>, vector<16xf32>,
    %bitcast3A_570 = vector.bitcast %get3A_569 : vector<16xf32> to vector<16xi32>
    %gt3A_571 = arith.cmpf ogt, %get3A_565, %select_n3A : vector<16xf32>
    %select_n3A_572 = arith.select %gt3A_571, %get3A_565, %select_n3A : vector<16xi1>, vector<16xf32>
    %select_n3A_573 = arith.select %gt3A_571, %bitcast3A_570, %select_n3A_561 : vector<16xi1>, vector<16xi32>
    %get3A_574 = arith.constant 4 : i32
    %get3A_575 = arith.index_cast %get3A_574 : i32 to index
    %get3A_576 = arith.constant 0 : index
    %get3A_577 = tpu.vector_load %arg9[%get3A_575, %get3A_576] {strides = array<i32>} : memref<32x16xf32, #tpu.memory_space<vmem>>, vector<16xf32>,
    %get3A_578 = arith.constant 5 : i32
    %get3A_579 = arith.index_cast %get3A_578 : i32 to index
    %get3A_580 = arith.constant 0 : index
    %get3A_581 = tpu.vector_load %arg9[%get3A_579, %get3A_580] {strides = array<i32>} : memref<32x16xf32, #tpu.memory_space<vmem>>, vector<16xf32>,
    %bitcast3A_582 = vector.bitcast %get3A_581 : vector<16xf32> to vector<16xi32>
    %gt3A_583 = arith.cmpf ogt, %get3A_577, %select_n3A_572 : vector<16xf32>
    %select_n3A_584 = arith.select %gt3A_583, %get3A_577, %select_n3A_572 : vector<16xi1>, vector<16xf32>
    %select_n3A_585 = arith.select %gt3A_583, %bitcast3A_582, %select_n3A_573 : vector<16xi1>, vector<16xi32>
    %get3A_586 = arith.constant 6 : i32
    %get3A_587 = arith.index_cast %get3A_586 : i32 to index
    %get3A_588 = arith.constant 0 : index
    %get3A_589 = tpu.vector_load %arg9[%get3A_587, %get3A_588] {strides = array<i32>} : memref<32x16xf32, #tpu.memory_space<vmem>>, vector<16xf32>,
    %get3A_590 = arith.constant 7 : i32
    %get3A_591 = arith.index_cast %get3A_590 : i32 to index
    %get3A_592 = arith.constant 0 : index
    %get3A_593 = tpu.vector_load %arg9[%get3A_591, %get3A_592] {strides = array<i32>} : memref<32x16xf32, #tpu.memory_space<vmem>>, vector<16xf32>,
    %bitcast3A_594 = vector.bitcast %get3A_593 : vector<16xf32> to vector<16xi32>
    %gt3A_595 = arith.cmpf ogt, %get3A_589, %select_n3A_584 : vector<16xf32>
    %select_n3A_596 = arith.select %gt3A_595, %get3A_589, %select_n3A_584 : vector<16xi1>, vector<16xf32>
    %select_n3A_597 = arith.select %gt3A_595, %bitcast3A_594, %select_n3A_585 : vector<16xi1>, vector<16xi32>
    %get3A_598 = arith.constant 8 : i32
    %get3A_599 = arith.index_cast %get3A_598 : i32 to index
    %get3A_600 = arith.constant 0 : index
    %get3A_601 = tpu.vector_load %arg9[%get3A_599, %get3A_600] {strides = array<i32>} : memref<32x16xf32, #tpu.memory_space<vmem>>, vector<16xf32>,
    %get3A_602 = arith.constant 9 : i32
    %get3A_603 = arith.index_cast %get3A_602 : i32 to index
    %get3A_604 = arith.constant 0 : index
    %get3A_605 = tpu.vector_load %arg9[%get3A_603, %get3A_604] {strides = array<i32>} : memref<32x16xf32, #tpu.memory_space<vmem>>, vector<16xf32>,
    %bitcast3A_606 = vector.bitcast %get3A_605 : vector<16xf32> to vector<16xi32>
    %gt3A_607 = arith.cmpf ogt, %get3A_601, %select_n3A_596 : vector<16xf32>
    %select_n3A_608 = arith.select %gt3A_607, %get3A_601, %select_n3A_596 : vector<16xi1>, vector<16xf32>
    %select_n3A_609 = arith.select %gt3A_607, %bitcast3A_606, %select_n3A_597 : vector<16xi1>, vector<16xi32>
    %get3A_610 = arith.constant 10 : i32
    %get3A_611 = arith.index_cast %get3A_610 : i32 to index
    %get3A_612 = arith.constant 0 : index
    %get3A_613 = tpu.vector_load %arg9[%get3A_611, %get3A_612] {strides = array<i32>} : memref<32x16xf32, #tpu.memory_space<vmem>>, vector<16xf32>,
    %get3A_614 = arith.constant 11 : i32
    %get3A_615 = arith.index_cast %get3A_614 : i32 to index
    %get3A_616 = arith.constant 0 : index
    %get3A_617 = tpu.vector_load %arg9[%get3A_615, %get3A_616] {strides = array<i32>} : memref<32x16xf32, #tpu.memory_space<vmem>>, vector<16xf32>,
    %bitcast3A_618 = vector.bitcast %get3A_617 : vector<16xf32> to vector<16xi32>
    %gt3A_619 = arith.cmpf ogt, %get3A_613, %select_n3A_608 : vector<16xf32>
    %select_n3A_620 = arith.select %gt3A_619, %get3A_613, %select_n3A_608 : vector<16xi1>, vector<16xf32>
    %select_n3A_621 = arith.select %gt3A_619, %bitcast3A_618, %select_n3A_609 : vector<16xi1>, vector<16xi32>
    %get3A_622 = arith.constant 12 : i32
    %get3A_623 = arith.index_cast %get3A_622 : i32 to index
    %get3A_624 = arith.constant 0 : index
    %get3A_625 = tpu.vector_load %arg9[%get3A_623, %get3A_624] {strides = array<i32>} : memref<32x16xf32, #tpu.memory_space<vmem>>, vector<16xf32>,
    %get3A_626 = arith.constant 13 : i32
    %get3A_627 = arith.index_cast %get3A_626 : i32 to index
    %get3A_628 = arith.constant 0 : index
    %get3A_629 = tpu.vector_load %arg9[%get3A_627, %get3A_628] {strides = array<i32>} : memref<32x16xf32, #tpu.memory_space<vmem>>, vector<16xf32>,
    %bitcast3A_630 = vector.bitcast %get3A_629 : vector<16xf32> to vector<16xi32>
    %gt3A_631 = arith.cmpf ogt, %get3A_625, %select_n3A_620 : vector<16xf32>
    %select_n3A_632 = arith.select %gt3A_631, %get3A_625, %select_n3A_620 : vector<16xi1>, vector<16xf32>
    %select_n3A_633 = arith.select %gt3A_631, %bitcast3A_630, %select_n3A_621 : vector<16xi1>, vector<16xi32>
    %get3A_634 = arith.constant 14 : i32
    %get3A_635 = arith.index_cast %get3A_634 : i32 to index
    %get3A_636 = arith.constant 0 : index
    %get3A_637 = tpu.vector_load %arg9[%get3A_635, %get3A_636] {strides = array<i32>} : memref<32x16xf32, #tpu.memory_space<vmem>>, vector<16xf32>,
    %get3A_638 = arith.constant 15 : i32
    %get3A_639 = arith.index_cast %get3A_638 : i32 to index
    %get3A_640 = arith.constant 0 : index
    %get3A_641 = tpu.vector_load %arg9[%get3A_639, %get3A_640] {strides = array<i32>} : memref<32x16xf32, #tpu.memory_space<vmem>>, vector<16xf32>,
    %bitcast3A_642 = vector.bitcast %get3A_641 : vector<16xf32> to vector<16xi32>
    %gt3A_643 = arith.cmpf ogt, %get3A_637, %select_n3A_632 : vector<16xf32>
    %select_n3A_644 = arith.select %gt3A_643, %get3A_637, %select_n3A_632 : vector<16xi1>, vector<16xf32>
    %select_n3A_645 = arith.select %gt3A_643, %bitcast3A_642, %select_n3A_633 : vector<16xi1>, vector<16xi32>
    %get3A_646 = arith.constant 16 : i32
    %get3A_647 = arith.index_cast %get3A_646 : i32 to index
    %get3A_648 = arith.constant 0 : index
    %get3A_649 = tpu.vector_load %arg9[%get3A_647, %get3A_648] {strides = array<i32>} : memref<32x16xf32, #tpu.memory_space<vmem>>, vector<16xf32>,
    %get3A_650 = arith.constant 17 : i32
    %get3A_651 = arith.index_cast %get3A_650 : i32 to index
    %get3A_652 = arith.constant 0 : index
    %get3A_653 = tpu.vector_load %arg9[%get3A_651, %get3A_652] {strides = array<i32>} : memref<32x16xf32, #tpu.memory_space<vmem>>, vector<16xf32>,
    %bitcast3A_654 = vector.bitcast %get3A_653 : vector<16xf32> to vector<16xi32>
    %gt3A_655 = arith.cmpf ogt, %get3A_649, %select_n3A_644 : vector<16xf32>
    %select_n3A_656 = arith.select %gt3A_655, %get3A_649, %select_n3A_644 : vector<16xi1>, vector<16xf32>
    %select_n3A_657 = arith.select %gt3A_655, %bitcast3A_654, %select_n3A_645 : vector<16xi1>, vector<16xi32>
    %get3A_658 = arith.constant 18 : i32
    %get3A_659 = arith.index_cast %get3A_658 : i32 to index
    %get3A_660 = arith.constant 0 : index
    %get3A_661 = tpu.vector_load %arg9[%get3A_659, %get3A_660] {strides = array<i32>} : memref<32x16xf32, #tpu.memory_space<vmem>>, vector<16xf32>,
    %get3A_662 = arith.constant 19 : i32
    %get3A_663 = arith.index_cast %get3A_662 : i32 to index
    %get3A_664 = arith.constant 0 : index
    %get3A_665 = tpu.vector_load %arg9[%get3A_663, %get3A_664] {strides = array<i32>} : memref<32x16xf32, #tpu.memory_space<vmem>>, vector<16xf32>,
    %bitcast3A_666 = vector.bitcast %get3A_665 : vector<16xf32> to vector<16xi32>
    %gt3A_667 = arith.cmpf ogt, %get3A_661, %select_n3A_656 : vector<16xf32>
    %select_n3A_668 = arith.select %gt3A_667, %get3A_661, %select_n3A_656 : vector<16xi1>, vector<16xf32>
    %select_n3A_669 = arith.select %gt3A_667, %bitcast3A_666, %select_n3A_657 : vector<16xi1>, vector<16xi32>
    %get3A_670 = arith.constant 20 : i32
    %get3A_671 = arith.index_cast %get3A_670 : i32 to index
    %get3A_672 = arith.constant 0 : index
    %get3A_673 = tpu.vector_load %arg9[%get3A_671, %get3A_672] {strides = array<i32>} : memref<32x16xf32, #tpu.memory_space<vmem>>, vector<16xf32>,
    %get3A_674 = arith.constant 21 : i32
    %get3A_675 = arith.index_cast %get3A_674 : i32 to index
    %get3A_676 = arith.constant 0 : index
    %get3A_677 = tpu.vector_load %arg9[%get3A_675, %get3A_676] {strides = array<i32>} : memref<32x16xf32, #tpu.memory_space<vmem>>, vector<16xf32>,
    %bitcast3A_678 = vector.bitcast %get3A_677 : vector<16xf32> to vector<16xi32>
    %gt3A_679 = arith.cmpf ogt, %get3A_673, %select_n3A_668 : vector<16xf32>
    %select_n3A_680 = arith.select %gt3A_679, %get3A_673, %select_n3A_668 : vector<16xi1>, vector<16xf32>
    %select_n3A_681 = arith.select %gt3A_679, %bitcast3A_678, %select_n3A_669 : vector<16xi1>, vector<16xi32>
    %get3A_682 = arith.constant 22 : i32
    %get3A_683 = arith.index_cast %get3A_682 : i32 to index
    %get3A_684 = arith.constant 0 : index
    %get3A_685 = tpu.vector_load %arg9[%get3A_683, %get3A_684] {strides = array<i32>} : memref<32x16xf32, #tpu.memory_space<vmem>>, vector<16xf32>,
    %get3A_686 = arith.constant 23 : i32
    %get3A_687 = arith.index_cast %get3A_686 : i32 to index
    %get3A_688 = arith.constant 0 : index
    %get3A_689 = tpu.vector_load %arg9[%get3A_687, %get3A_688] {strides = array<i32>} : memref<32x16xf32, #tpu.memory_space<vmem>>, vector<16xf32>,
    %bitcast3A_690 = vector.bitcast %get3A_689 : vector<16xf32> to vector<16xi32>
    %gt3A_691 = arith.cmpf ogt, %get3A_685, %select_n3A_680 : vector<16xf32>
    %select_n3A_692 = arith.select %gt3A_691, %get3A_685, %select_n3A_680 : vector<16xi1>, vector<16xf32>
    %select_n3A_693 = arith.select %gt3A_691, %bitcast3A_690, %select_n3A_681 : vector<16xi1>, vector<16xi32>
    %get3A_694 = arith.constant 24 : i32
    %get3A_695 = arith.index_cast %get3A_694 : i32 to index
    %get3A_696 = arith.constant 0 : index
    %get3A_697 = tpu.vector_load %arg9[%get3A_695, %get3A_696] {strides = array<i32>} : memref<32x16xf32, #tpu.memory_space<vmem>>, vector<16xf32>,
    %get3A_698 = arith.constant 25 : i32
    %get3A_699 = arith.index_cast %get3A_698 : i32 to index
    %get3A_700 = arith.constant 0 : index
    %get3A_701 = tpu.vector_load %arg9[%get3A_699, %get3A_700] {strides = array<i32>} : memref<32x16xf32, #tpu.memory_space<vmem>>, vector<16xf32>,
    %bitcast3A_702 = vector.bitcast %get3A_701 : vector<16xf32> to vector<16xi32>
    %gt3A_703 = arith.cmpf ogt, %get3A_697, %select_n3A_692 : vector<16xf32>
    %select_n3A_704 = arith.select %gt3A_703, %get3A_697, %select_n3A_692 : vector<16xi1>, vector<16xf32>
    %select_n3A_705 = arith.select %gt3A_703, %bitcast3A_702, %select_n3A_693 : vector<16xi1>, vector<16xi32>
    %get3A_706 = arith.constant 26 : i32
    %get3A_707 = arith.index_cast %get3A_706 : i32 to index
    %get3A_708 = arith.constant 0 : index
    %get3A_709 = tpu.vector_load %arg9[%get3A_707, %get3A_708] {strides = array<i32>} : memref<32x16xf32, #tpu.memory_space<vmem>>, vector<16xf32>,
    %get3A_710 = arith.constant 27 : i32
    %get3A_711 = arith.index_cast %get3A_710 : i32 to index
    %get3A_712 = arith.constant 0 : index
    %get3A_713 = tpu.vector_load %arg9[%get3A_711, %get3A_712] {strides = array<i32>} : memref<32x16xf32, #tpu.memory_space<vmem>>, vector<16xf32>,
    %bitcast3A_714 = vector.bitcast %get3A_713 : vector<16xf32> to vector<16xi32>
    %gt3A_715 = arith.cmpf ogt, %get3A_709, %select_n3A_704 : vector<16xf32>
    %select_n3A_716 = arith.select %gt3A_715, %get3A_709, %select_n3A_704 : vector<16xi1>, vector<16xf32>
    %select_n3A_717 = arith.select %gt3A_715, %bitcast3A_714, %select_n3A_705 : vector<16xi1>, vector<16xi32>
    %get3A_718 = arith.constant 28 : i32
    %get3A_719 = arith.index_cast %get3A_718 : i32 to index
    %get3A_720 = arith.constant 0 : index
    %get3A_721 = tpu.vector_load %arg9[%get3A_719, %get3A_720] {strides = array<i32>} : memref<32x16xf32, #tpu.memory_space<vmem>>, vector<16xf32>,
    %get3A_722 = arith.constant 29 : i32
    %get3A_723 = arith.index_cast %get3A_722 : i32 to index
    %get3A_724 = arith.constant 0 : index
    %get3A_725 = tpu.vector_load %arg9[%get3A_723, %get3A_724] {strides = array<i32>} : memref<32x16xf32, #tpu.memory_space<vmem>>, vector<16xf32>,
    %bitcast3A_726 = vector.bitcast %get3A_725 : vector<16xf32> to vector<16xi32>
    %gt3A_727 = arith.cmpf ogt, %get3A_721, %select_n3A_716 : vector<16xf32>
    %select_n3A_728 = arith.select %gt3A_727, %get3A_721, %select_n3A_716 : vector<16xi1>, vector<16xf32>
    %select_n3A_729 = arith.select %gt3A_727, %bitcast3A_726, %select_n3A_717 : vector<16xi1>, vector<16xi32>
    %get3A_730 = arith.constant 30 : i32
    %get3A_731 = arith.index_cast %get3A_730 : i32 to index
    %get3A_732 = arith.constant 0 : index
    %get3A_733 = tpu.vector_load %arg9[%get3A_731, %get3A_732] {strides = array<i32>} : memref<32x16xf32, #tpu.memory_space<vmem>>, vector<16xf32>,
    %get3A_734 = arith.constant 31 : i32
    %get3A_735 = arith.index_cast %get3A_734 : i32 to index
    %get3A_736 = arith.constant 0 : index
    %get3A_737 = tpu.vector_load %arg9[%get3A_735, %get3A_736] {strides = array<i32>} : memref<32x16xf32, #tpu.memory_space<vmem>>, vector<16xf32>,
    %bitcast3A_738 = vector.bitcast %get3A_737 : vector<16xf32> to vector<16xi32>
    %gt3A_739 = arith.cmpf ogt, %get3A_733, %select_n3A_728 : vector<16xf32>
    %select_n3A_740 = arith.select %gt3A_739, %get3A_733, %select_n3A_728 : vector<16xi1>, vector<16xf32>
    %select_n3A_741 = arith.select %gt3A_739, %bitcast3A_738, %select_n3A_729 : vector<16xi1>, vector<16xi32>
    %xor3A = arith.constant 8 : i32
    %xor3A_742 = vector.broadcast %xor3A : i32 to vector<16xi32>
    %xor3A_743 = arith.xori %iota3A, %xor3A_742 : vector<16xi32>
    %swap3A_744 = arith.constant 0 : index
    %swap3A_745 = tpu.vector_load %arg7[%swap3A_744] {strides = array<i32>} : memref<16xf32, #tpu.memory_space<vmem>>, vector<16xf32>,
    tpu.vector_store %arg7[%swap3A_744], %select_n3A_740 {strides = array<i32>} : memref<16xf32, #tpu.memory_space<vmem>>, vector<16xf32>,
    %swap3A_746 = arith.constant 0 : index
    %swap3A_747 = tpu.vector_load %arg8[%swap3A_746] {strides = array<i32>} : memref<16xi32, #tpu.memory_space<vmem>>, vector<16xi32>,
    tpu.vector_store %arg8[%swap3A_746], %select_n3A_741 {strides = array<i32>} : memref<16xi32, #tpu.memory_space<vmem>>, vector<16xi32>,
    %gather3A = tpu.vector_load_idx %arg7[%xor3A_743] : memref<16xf32, #tpu.memory_space<vmem>>[vector<16xi32>], vector<16xf32>,
    %gather3A_748 = tpu.vector_load_idx %arg8[%xor3A_743] : memref<16xi32, #tpu.memory_space<vmem>>[vector<16xi32>], vector<16xi32>,
    %gt3A_749 = arith.cmpf ogt, %gather3A, %select_n3A_740 : vector<16xf32>
    %eq3A = arith.cmpf oeq, %gather3A, %select_n3A_740 : vector<16xf32>
    %lt3A = arith.cmpi slt, %gather3A_748, %select_n3A_741 : vector<16xi32>
    %and3A = arith.andi %eq3A, %lt3A : vector<16xi1>
    %or3A = arith.ori %gt3A_749, %and3A : vector<16xi1>
    %select_n3A_750 = arith.select %or3A, %gather3A, %select_n3A_740 : vector<16xi1>, vector<16xf32>
    %select_n3A_751 = arith.select %or3A, %gather3A_748, %select_n3A_741 : vector<16xi1>, vector<16xi32>
    %xor3A_752 = arith.constant 4 : i32
    %xor3A_753 = vector.broadcast %xor3A_752 : i32 to vector<16xi32>
    %xor3A_754 = arith.xori %iota3A, %xor3A_753 : vector<16xi32>
    %swap3A_755 = arith.constant 0 : index
    %swap3A_756 = tpu.vector_load %arg7[%swap3A_755] {strides = array<i32>} : memref<16xf32, #tpu.memory_space<vmem>>, vector<16xf32>,
    tpu.vector_store %arg7[%swap3A_755], %select_n3A_750 {strides = array<i32>} : memref<16xf32, #tpu.memory_space<vmem>>, vector<16xf32>,
    %swap3A_757 = arith.constant 0 : index
    %swap3A_758 = tpu.vector_load %arg8[%swap3A_757] {strides = array<i32>} : memref<16xi32, #tpu.memory_space<vmem>>, vector<16xi32>,
    tpu.vector_store %arg8[%swap3A_757], %select_n3A_751 {strides = array<i32>} : memref<16xi32, #tpu.memory_space<vmem>>, vector<16xi32>,
    %gather3A_759 = tpu.vector_load_idx %arg7[%xor3A_754] : memref<16xf32, #tpu.memory_space<vmem>>[vector<16xi32>], vector<16xf32>,
    %gather3A_760 = tpu.vector_load_idx %arg8[%xor3A_754] : memref<16xi32, #tpu.memory_space<vmem>>[vector<16xi32>], vector<16xi32>,
    %gt3A_761 = arith.cmpf ogt, %gather3A_759, %select_n3A_750 : vector<16xf32>
    %eq3A_762 = arith.cmpf oeq, %gather3A_759, %select_n3A_750 : vector<16xf32>
    %lt3A_763 = arith.cmpi slt, %gather3A_760, %select_n3A_751 : vector<16xi32>
    %and3A_764 = arith.andi %eq3A_762, %lt3A_763 : vector<16xi1>
    %or3A_765 = arith.ori %gt3A_761, %and3A_764 : vector<16xi1>
    %select_n3A_766 = arith.select %or3A_765, %gather3A_759, %select_n3A_750 : vector<16xi1>, vector<16xf32>
    %select_n3A_767 = arith.select %or3A_765, %gather3A_760, %select_n3A_751 : vector<16xi1>, vector<16xi32>
    %xor3A_768 = arith.constant 2 : i32
    %xor3A_769 = vector.broadcast %xor3A_768 : i32 to vector<16xi32>
    %xor3A_770 = arith.xori %iota3A, %xor3A_769 : vector<16xi32>
    %swap3A_771 = arith.constant 0 : index
    %swap3A_772 = tpu.vector_load %arg7[%swap3A_771] {strides = array<i32>} : memref<16xf32, #tpu.memory_space<vmem>>, vector<16xf32>,
    tpu.vector_store %arg7[%swap3A_771], %select_n3A_766 {strides = array<i32>} : memref<16xf32, #tpu.memory_space<vmem>>, vector<16xf32>,
    %swap3A_773 = arith.constant 0 : index
    %swap3A_774 = tpu.vector_load %arg8[%swap3A_773] {strides = array<i32>} : memref<16xi32, #tpu.memory_space<vmem>>, vector<16xi32>,
    tpu.vector_store %arg8[%swap3A_773], %select_n3A_767 {strides = array<i32>} : memref<16xi32, #tpu.memory_space<vmem>>, vector<16xi32>,
    %gather3A_775 = tpu.vector_load_idx %arg7[%xor3A_770] : memref<16xf32, #tpu.memory_space<vmem>>[vector<16xi32>], vector<16xf32>,
    %gather3A_776 = tpu.vector_load_idx %arg8[%xor3A_770] : memref<16xi32, #tpu.memory_space<vmem>>[vector<16xi32>], vector<16xi32>,
    %gt3A_777 = arith.cmpf ogt, %gather3A_775, %select_n3A_766 : vector<16xf32>
    %eq3A_778 = arith.cmpf oeq, %gather3A_775, %select_n3A_766 : vector<16xf32>
    %lt3A_779 = arith.cmpi slt, %gather3A_776, %select_n3A_767 : vector<16xi32>
    %and3A_780 = arith.andi %eq3A_778, %lt3A_779 : vector<16xi1>
    %or3A_781 = arith.ori %gt3A_777, %and3A_780 : vector<16xi1>
    %select_n3A_782 = arith.select %or3A_781, %gather3A_775, %select_n3A_766 : vector<16xi1>, vector<16xf32>
    %select_n3A_783 = arith.select %or3A_781, %gather3A_776, %select_n3A_767 : vector<16xi1>, vector<16xi32>
    %xor3A_784 = arith.constant 1 : i32
    %xor3A_785 = vector.broadcast %xor3A_784 : i32 to vector<16xi32>
    %xor3A_786 = arith.xori %iota3A, %xor3A_785 : vector<16xi32>
    %swap3A_787 = arith.constant 0 : index
    %swap3A_788 = tpu.vector_load %arg7[%swap3A_787] {strides = array<i32>} : memref<16xf32, #tpu.memory_space<vmem>>, vector<16xf32>,
    tpu.vector_store %arg7[%swap3A_787], %select_n3A_782 {strides = array<i32>} : memref<16xf32, #tpu.memory_space<vmem>>, vector<16xf32>,
    %swap3A_789 = arith.constant 0 : index
    %swap3A_790 = tpu.vector_load %arg8[%swap3A_789] {strides = array<i32>} : memref<16xi32, #tpu.memory_space<vmem>>, vector<16xi32>,
    tpu.vector_store %arg8[%swap3A_789], %select_n3A_783 {strides = array<i32>} : memref<16xi32, #tpu.memory_space<vmem>>, vector<16xi32>,
    %gather3A_791 = tpu.vector_load_idx %arg7[%xor3A_786] : memref<16xf32, #tpu.memory_space<vmem>>[vector<16xi32>], vector<16xf32>,
    %gather3A_792 = tpu.vector_load_idx %arg8[%xor3A_786] : memref<16xi32, #tpu.memory_space<vmem>>[vector<16xi32>], vector<16xi32>,
    %gt3A_793 = arith.cmpf ogt, %gather3A_791, %select_n3A_782 : vector<16xf32>
    %eq3A_794 = arith.cmpf oeq, %gather3A_791, %select_n3A_782 : vector<16xf32>
    %lt3A_795 = arith.cmpi slt, %gather3A_792, %select_n3A_783 : vector<16xi32>
    %and3A_796 = arith.andi %eq3A_794, %lt3A_795 : vector<16xi1>
    %or3A_797 = arith.ori %gt3A_793, %and3A_796 : vector<16xi1>
    %select_n3A_798 = arith.select %or3A_797, %gather3A_791, %select_n3A_782 : vector<16xi1>, vector<16xf32>
    %select_n3A_799 = arith.select %or3A_797, %gather3A_792, %select_n3A_783 : vector<16xi1>, vector<16xi32>
    %dma_wait3A_800 = arith.constant 0 : i32
    %dma_wait3A_801 = tpu.memref_slice %arg3[%mul3A_2, %dma_wait3A_800] : memref<256x128xf32, #tpu.memory_space<hbm>> -> memref<16x128xf32, #tpu.memory_space<hbm>>
    %dma_wait3A_802 = arith.constant 0 : i32
    %dma_wait3A_803 = tpu.memref_slice %arg3[%mul3A_2, %dma_wait3A_802] : memref<256x128xf32, #tpu.memory_space<hbm>> -> memref<16x128xf32, #tpu.memory_space<hbm>>
    tpu.wait_dma2 semaphore(%arg11 : memref<!tpu.dma_semaphore, #tpu.memory_space<semaphore_mem>>) src(%arg5 : memref<16x128xf32, #tpu.memory_space<vmem>>) dst(%dma_wait3A_803 : memref<16x128xf32, #tpu.memory_space<hbm>>)
    %shift_right_arithmetic3A = arith.constant 7 : i32
    %shift_right_arithmetic3A_804 = vector.broadcast %shift_right_arithmetic3A : i32 to vector<16xi32>
    %shift_right_arithmetic3A_805 = arith.shrsi %select_n3A_799, %shift_right_arithmetic3A_804 : vector<16xi32>
    %slice3A = vector.extract_strided_slice %shift_right_arithmetic3A_805 {offsets = [0], sizes = [1], strides = [1]} : vector<16xi32> to vector<1xi32>
    %squeeze3A = vector.extract %slice3A[0] : i32 from vector<1xi32>
    %ge3A = arith.cmpi sge, %squeeze3A, %mul3A_2 : i32
    %add3A_806 = arith.constant 16 : i32
    %add3A_807 = arith.addi %mul3A_2, %add3A_806 : i32
    %lt3A_808 = arith.cmpi slt, %squeeze3A, %add3A_807 : i32
    %and3A_809 = arith.andi %ge3A, %lt3A_808 : i1
    %convert_element_type3A = arith.extui %and3A_809 : i1 to i32
    %cond3A = arith.constant 0 : i32
    %cond3A_810 = arith.cmpi ne, %convert_element_type3A, %cond3A : i32
    scf.if %cond3A_810 {
      %and3A_811 = arith.constant 127 : i32
      %and3A_812 = vector.broadcast %and3A_811 : i32 to vector<16xi32>
      %and3A_813 = arith.andi %select_n3A_799, %and3A_812 : vector<16xi32>
      %sub3A = arith.subi %squeeze3A, %mul3A_2 : i32
      %add3A_814 = arith.constant 0 : i32
      %add3A_815 = vector.broadcast %add3A_814 : i32 to vector<16xi32>
      %add3A_816 = arith.addi %iota3A, %add3A_815 : vector<16xi32>
      %eq3A_817 = arith.cmpi eq, %add3A_816, %and3A_813 : vector<16xi32>
      %jit3A = arith.constant 1.000000e+00 : f32
      %jit3A_818 = arith.constant 0.000000e+00 : f32
      %broadcast_in_dim3A_819 = vector.broadcast %jit3A : f32 to vector<16xf32>
      %broadcast_in_dim3A_820 = vector.broadcast %jit3A_818 : f32 to vector<16xf32>
      %select_n3A_821 = arith.select %eq3A_817, %broadcast_in_dim3A_819, %broadcast_in_dim3A_820 : vector<16xi1>, vector<16xf32>
      %swap3A_822 = arith.index_cast %sub3A : i32 to index
      %swap3A_823 = arith.constant 0 : index
      %swap3A_824 = tpu.vector_load %arg5[%swap3A_822, %swap3A_823] {strides = array<i32>} : memref<16x128xf32, #tpu.memory_space<vmem>>, vector<16xf32>,
      tpu.vector_store %arg5[%swap3A_822, %swap3A_823], %select_n3A_821 {strides = array<i32>} : memref<16x128xf32, #tpu.memory_space<vmem>>, vector<16xf32>,
      %add3A_825 = arith.constant 16 : i32
      %add3A_826 = vector.broadcast %add3A_825 : i32 to vector<16xi32>
      %add3A_827 = arith.addi %iota3A, %add3A_826 : vector<16xi32>
      %eq3A_828 = arith.cmpi eq, %add3A_827, %and3A_813 : vector<16xi32>
      %jit3A_829 = arith.constant 1.000000e+00 : f32
      %jit3A_830 = arith.constant 0.000000e+00 : f32
      %broadcast_in_dim3A_831 = vector.broadcast %jit3A_829 : f32 to vector<16xf32>
      %broadcast_in_dim3A_832 = vector.broadcast %jit3A_830 : f32 to vector<16xf32>
      %select_n3A_833 = arith.select %eq3A_828, %broadcast_in_dim3A_831, %broadcast_in_dim3A_832 : vector<16xi1>, vector<16xf32>
      %swap3A_834 = arith.index_cast %sub3A : i32 to index
      %swap3A_835 = arith.constant 16 : index
      %swap3A_836 = tpu.vector_load %arg5[%swap3A_834, %swap3A_835] {strides = array<i32>} : memref<16x128xf32, #tpu.memory_space<vmem>>, vector<16xf32>,
      tpu.vector_store %arg5[%swap3A_834, %swap3A_835], %select_n3A_833 {strides = array<i32>} : memref<16x128xf32, #tpu.memory_space<vmem>>, vector<16xf32>,
      %add3A_837 = arith.constant 32 : i32
      %add3A_838 = vector.broadcast %add3A_837 : i32 to vector<16xi32>
      %add3A_839 = arith.addi %iota3A, %add3A_838 : vector<16xi32>
      %eq3A_840 = arith.cmpi eq, %add3A_839, %and3A_813 : vector<16xi32>
      %jit3A_841 = arith.constant 1.000000e+00 : f32
      %jit3A_842 = arith.constant 0.000000e+00 : f32
      %broadcast_in_dim3A_843 = vector.broadcast %jit3A_841 : f32 to vector<16xf32>
      %broadcast_in_dim3A_844 = vector.broadcast %jit3A_842 : f32 to vector<16xf32>
      %select_n3A_845 = arith.select %eq3A_840, %broadcast_in_dim3A_843, %broadcast_in_dim3A_844 : vector<16xi1>, vector<16xf32>
      %swap3A_846 = arith.index_cast %sub3A : i32 to index
      %swap3A_847 = arith.constant 32 : index
      %swap3A_848 = tpu.vector_load %arg5[%swap3A_846, %swap3A_847] {strides = array<i32>} : memref<16x128xf32, #tpu.memory_space<vmem>>, vector<16xf32>,
      tpu.vector_store %arg5[%swap3A_846, %swap3A_847], %select_n3A_845 {strides = array<i32>} : memref<16x128xf32, #tpu.memory_space<vmem>>, vector<16xf32>,
      %add3A_849 = arith.constant 48 : i32
      %add3A_850 = vector.broadcast %add3A_849 : i32 to vector<16xi32>
      %add3A_851 = arith.addi %iota3A, %add3A_850 : vector<16xi32>
      %eq3A_852 = arith.cmpi eq, %add3A_851, %and3A_813 : vector<16xi32>
      %jit3A_853 = arith.constant 1.000000e+00 : f32
      %jit3A_854 = arith.constant 0.000000e+00 : f32
      %broadcast_in_dim3A_855 = vector.broadcast %jit3A_853 : f32 to vector<16xf32>
      %broadcast_in_dim3A_856 = vector.broadcast %jit3A_854 : f32 to vector<16xf32>
      %select_n3A_857 = arith.select %eq3A_852, %broadcast_in_dim3A_855, %broadcast_in_dim3A_856 : vector<16xi1>, vector<16xf32>
      %swap3A_858 = arith.index_cast %sub3A : i32 to index
      %swap3A_859 = arith.constant 48 : index
      %swap3A_860 = tpu.vector_load %arg5[%swap3A_858, %swap3A_859] {strides = array<i32>} : memref<16x128xf32, #tpu.memory_space<vmem>>, vector<16xf32>,
      tpu.vector_store %arg5[%swap3A_858, %swap3A_859], %select_n3A_857 {strides = array<i32>} : memref<16x128xf32, #tpu.memory_space<vmem>>, vector<16xf32>,
      %add3A_861 = arith.constant 64 : i32
      %add3A_862 = vector.broadcast %add3A_861 : i32 to vector<16xi32>
      %add3A_863 = arith.addi %iota3A, %add3A_862 : vector<16xi32>
      %eq3A_864 = arith.cmpi eq, %add3A_863, %and3A_813 : vector<16xi32>
      %jit3A_865 = arith.constant 1.000000e+00 : f32
      %jit3A_866 = arith.constant 0.000000e+00 : f32
      %broadcast_in_dim3A_867 = vector.broadcast %jit3A_865 : f32 to vector<16xf32>
      %broadcast_in_dim3A_868 = vector.broadcast %jit3A_866 : f32 to vector<16xf32>
      %select_n3A_869 = arith.select %eq3A_864, %broadcast_in_dim3A_867, %broadcast_in_dim3A_868 : vector<16xi1>, vector<16xf32>
      %swap3A_870 = arith.index_cast %sub3A : i32 to index
      %swap3A_871 = arith.constant 64 : index
      %swap3A_872 = tpu.vector_load %arg5[%swap3A_870, %swap3A_871] {strides = array<i32>} : memref<16x128xf32, #tpu.memory_space<vmem>>, vector<16xf32>,
      tpu.vector_store %arg5[%swap3A_870, %swap3A_871], %select_n3A_869 {strides = array<i32>} : memref<16x128xf32, #tpu.memory_space<vmem>>, vector<16xf32>,
      %add3A_873 = arith.constant 80 : i32
      %add3A_874 = vector.broadcast %add3A_873 : i32 to vector<16xi32>
      %add3A_875 = arith.addi %iota3A, %add3A_874 : vector<16xi32>
      %eq3A_876 = arith.cmpi eq, %add3A_875, %and3A_813 : vector<16xi32>
      %jit3A_877 = arith.constant 1.000000e+00 : f32
      %jit3A_878 = arith.constant 0.000000e+00 : f32
      %broadcast_in_dim3A_879 = vector.broadcast %jit3A_877 : f32 to vector<16xf32>
      %broadcast_in_dim3A_880 = vector.broadcast %jit3A_878 : f32 to vector<16xf32>
      %select_n3A_881 = arith.select %eq3A_876, %broadcast_in_dim3A_879, %broadcast_in_dim3A_880 : vector<16xi1>, vector<16xf32>
      %swap3A_882 = arith.index_cast %sub3A : i32 to index
      %swap3A_883 = arith.constant 80 : index
      %swap3A_884 = tpu.vector_load %arg5[%swap3A_882, %swap3A_883] {strides = array<i32>} : memref<16x128xf32, #tpu.memory_space<vmem>>, vector<16xf32>,
      tpu.vector_store %arg5[%swap3A_882, %swap3A_883], %select_n3A_881 {strides = array<i32>} : memref<16x128xf32, #tpu.memory_space<vmem>>, vector<16xf32>,
      %add3A_885 = arith.constant 96 : i32
      %add3A_886 = vector.broadcast %add3A_885 : i32 to vector<16xi32>
      %add3A_887 = arith.addi %iota3A, %add3A_886 : vector<16xi32>
      %eq3A_888 = arith.cmpi eq, %add3A_887, %and3A_813 : vector<16xi32>
      %jit3A_889 = arith.constant 1.000000e+00 : f32
      %jit3A_890 = arith.constant 0.000000e+00 : f32
      %broadcast_in_dim3A_891 = vector.broadcast %jit3A_889 : f32 to vector<16xf32>
      %broadcast_in_dim3A_892 = vector.broadcast %jit3A_890 : f32 to vector<16xf32>
      %select_n3A_893 = arith.select %eq3A_888, %broadcast_in_dim3A_891, %broadcast_in_dim3A_892 : vector<16xi1>, vector<16xf32>
      %swap3A_894 = arith.index_cast %sub3A : i32 to index
      %swap3A_895 = arith.constant 96 : index
      %swap3A_896 = tpu.vector_load %arg5[%swap3A_894, %swap3A_895] {strides = array<i32>} : memref<16x128xf32, #tpu.memory_space<vmem>>, vector<16xf32>,
      tpu.vector_store %arg5[%swap3A_894, %swap3A_895], %select_n3A_893 {strides = array<i32>} : memref<16x128xf32, #tpu.memory_space<vmem>>, vector<16xf32>,
      %add3A_897 = arith.constant 112 : i32
      %add3A_898 = vector.broadcast %add3A_897 : i32 to vector<16xi32>
      %add3A_899 = arith.addi %iota3A, %add3A_898 : vector<16xi32>
      %eq3A_900 = arith.cmpi eq, %add3A_899, %and3A_813 : vector<16xi32>
      %jit3A_901 = arith.constant 1.000000e+00 : f32
      %jit3A_902 = arith.constant 0.000000e+00 : f32
      %broadcast_in_dim3A_903 = vector.broadcast %jit3A_901 : f32 to vector<16xf32>
      %broadcast_in_dim3A_904 = vector.broadcast %jit3A_902 : f32 to vector<16xf32>
      %select_n3A_905 = arith.select %eq3A_900, %broadcast_in_dim3A_903, %broadcast_in_dim3A_904 : vector<16xi1>, vector<16xf32>
      %swap3A_906 = arith.index_cast %sub3A : i32 to index
      %swap3A_907 = arith.constant 112 : index
      %swap3A_908 = tpu.vector_load %arg5[%swap3A_906, %swap3A_907] {strides = array<i32>} : memref<16x128xf32, #tpu.memory_space<vmem>>, vector<16xf32>,
      tpu.vector_store %arg5[%swap3A_906, %swap3A_907], %select_n3A_905 {strides = array<i32>} : memref<16x128xf32, #tpu.memory_space<vmem>>, vector<16xf32>,
      "tpu.region"() ({
        %run_scoped3A = tpu.sem_alloc : memref<!tpu.dma_semaphore, #tpu.memory_space<semaphore_mem>>
        %dma_start3A_909 = arith.constant 0 : i32
        %dma_start3A_910 = tpu.memref_slice %arg3[%mul3A_2, %dma_start3A_909] : memref<256x128xf32, #tpu.memory_space<hbm>> -> memref<16x128xf32, #tpu.memory_space<hbm>>
        %dma_start3A_911 = arith.constant 0 : i32
        %dma_start3A_912 = tpu.memref_slice %arg3[%mul3A_2, %dma_start3A_911] : memref<256x128xf32, #tpu.memory_space<hbm>> -> memref<16x128xf32, #tpu.memory_space<hbm>>
        tpu.enqueue_dma source(%arg5 : memref<16x128xf32, #tpu.memory_space<vmem>>) target(%dma_start3A_912 : memref<16x128xf32, #tpu.memory_space<hbm>>) target_semaphore(%run_scoped3A : memref<!tpu.dma_semaphore, #tpu.memory_space<semaphore_mem>>)
        %dma_wait3A_913 = arith.constant 0 : i32
        %dma_wait3A_914 = tpu.memref_slice %arg3[%mul3A_2, %dma_wait3A_913] : memref<256x128xf32, #tpu.memory_space<hbm>> -> memref<16x128xf32, #tpu.memory_space<hbm>>
        %dma_wait3A_915 = arith.constant 0 : i32
        %dma_wait3A_916 = tpu.memref_slice %arg3[%mul3A_2, %dma_wait3A_915] : memref<256x128xf32, #tpu.memory_space<hbm>> -> memref<16x128xf32, #tpu.memory_space<hbm>>
        tpu.wait_dma2 semaphore(%run_scoped3A : memref<!tpu.dma_semaphore, #tpu.memory_space<semaphore_mem>>) src(%arg5 : memref<16x128xf32, #tpu.memory_space<vmem>>) dst(%dma_wait3A_916 : memref<16x128xf32, #tpu.memory_space<hbm>>)
        tpu.yield
      }) : () -> ()
    } else {
    }
    return
  }
}

</mosaic_0001>

<sc_bundles>
// kernel: kernel.3.cloned.1.call-start
scs
__scs_entry_jumppad:
0x0: {  	(pc) =	sbr.rel $0x88, $3  }
0x1: {  	(tag) =	ssettag $0x0;
	lr =	simm.s32 $0x1  }
0x2: {  	[smem:$0x3FA0] =	sst lr;
	_ =	strace $0xD0000000  }
0x3: {  	_ = 	snop  }
0x4: {  	_ = 	snop  }
0x5: {  	_ = 	snop  }
0x6: {  	_ = 	snop  }
0x7: {  	_ = 	snop  }
__scs_overlays_trampoline_lowered:
0x8: {  	[smem:$0x3FAF] =	sst s0  }
0x9: {  	[smem:$0x3FB0] =	sst s1  }
0xa: {  	[smem:$0x3FB1] =	sst s2  }
0xb: {  	[smem:$0x3FB2] =	sst s3  }
0xc: {  	[smem:$0x3FB3] =	sst s4  }
0xd: {  	[smem:$0x3FB4] =	sst s5  }
0xe: {  	[smem:$0x3FB5] =	sst s6  }
0xf: {  	[smem:$0x3FB6] =	sst s7  }
0x10: {  	[smem:$0x3FB7] =	sst s8  }
0x11: {  	[smem:$0x3FB8] =	sst s9;
	s0 =	simm.s32 @!p0 $0x0  }
0x12: {  	s1 =	sld [smem:$0x3F9E];
	s0 =	simm.s32 @p0 $0x1  }
0x13: {  	[smem:$0x3FB9] =	sst s0;
	s0 =	simm.s32 @!p1 $0x0  }
0x14: {  	s2 =	sld [smem:$0x3F9D];
	s0 =	simm.s32 @p1 $0x1  }
0x15: {  	[smem:$0x3FBA] =	sst s0;
	s0 =	simm.s32 @!p2 $0x0  }
0x16: {  	s3 =	sld [smem:$0x3FDB];
	s0 =	simm.s32 @p2 $0x1  }
0x17: {  	s4 =	simm.s32 $0x1BF5;
	[smem:$0x3FBC] =	sst s0  }
0x18: {  	s0 =	sld [smem:$0x3F9F];
	_ =	swait.ge [sflag:s4], $0x0  }
0x19: {  	s7 =	sld [smem:$0x3FA0]  }
0x1a: {  	s8 =	sadd.s32 $0xFFFFE003, lr  }
0x1b: {  	s9 =	sadd.s32 $0xFFFFFEF7, lr;
	s5 =	simm.s32 $0xFFFFFFFF;
	p2 =	slt.u32 s8, $0xFFFFF086  }
0x1c: {  	p1 =	slt.u32 s9, $0xF7A;
	s5 =	simm.s32 @!p2 $0x0  }
0x1d: {  	s5 =	simm.s32 @p1 $0x1;
	p0 =	seq.s32 s7, s2  }
0x1e: {  	s7 =	smul.u32 @!p0 $0xF7A, s2;
	p2 =	seq.s32 @!p0 s5, $0x0  }
0x1f: {  	s9 =	smul.u32 $0xF7A, s1;
	s8 =	simm.s32 @!p0 $0x1BF5;
	p2 =	por !p2, p0  }
0x20: {  	[sflag:s8] =	ssyncset.s32 @!p0 $0xFFFFF086;
	s6 =	sadd.s32 @!p0 s3, s7;
	s7 =	simm.s32 @!p0 $0x108  }
0x21: {  	s3 =	sadd.s32 s3, s9;
	s6 =	sadd.s32 @!p0 $0x88, s6;
	s7 =	simm.s32 @p2 $0x1082  }
0x22: {  	[simem:s7], [sflag:s8] =	dma.local @!p0 [hbm:s6], $0xF7A  }
0x23: {  	s9 =	sor.u32 $0xD0000000, s2;
	s6 =	simm.s32 $0x108;
	_ =	swait.ge @!p0 [sflag:s8], $0x0  }
0x24: {  	s3 =	sadd.s32 $0x88, s3;
	s6 =	simm.s32 @!p1 $0x1082;
	[sflag:s4] =	ssyncset.s32 $0xFFFFF086  }
0x25: {  	[simem:s6], [sflag:s4] =	dma.local [hbm:s3], $0xF7A  }
0x26: {  	[smem:$0x3FA0] =	sst s1;
	(tag) =	ssettag s2;
	_ =	strace s9  }
0x27: {  	s1 =	sld [smem:$0x3FB0]  }
0x28: {  	s2 =	sld [smem:$0x3FB1]  }
0x29: {  	s4 =	sld [smem:$0x3FB3]  }
0x2a: {  	p0 =	seq.s32 s5, $0x0;
	s5 =	sld [smem:$0x3FB4]  }
0x2b: {  	s6 =	sld [smem:$0x3FB5]  }
0x2c: {  	s7 =	sld [smem:$0x3FB6]  }
0x2d: {  	s3 =	simm.s32 $0x108;
	s8 =	sld [smem:$0x3FB7]  }
0x2e: {  	s3 =	simm.s32 @!p0 $0x1082;
	s9 =	sld [smem:$0x3FB8]  }
0x2f: {  	lr =	sadd.s32 s0, s3;
	s0 =	sld [smem:$0x3FAF]  }
0x30: {  	s3 =	sld [smem:$0x3FB2]  }
0x31: {  	[smem:$0x3FBB] =	sst s10  }
0x32: {  	s10 =	sld [smem:$0x3FB9];
	_ =	sdelay $0x3  }
0x33: {  	p0 =	seq.s32 s10, $0x1;
	s10 =	sld [smem:$0x3FBB];
	_ =	sdelay $0x3  }
0x34: {  	[smem:$0x3FBB] =	sst s10  }
0x35: {  	s10 =	sld [smem:$0x3FBA];
	_ =	sdelay $0x3  }
0x36: {  	p1 =	seq.s32 s10, $0x1;
	s10 =	sld [smem:$0x3FBB];
	_ =	sdelay $0x3  }
0x37: {  	[smem:$0x3FBB] =	sst s10  }
0x38: {  	s10 =	sld [smem:$0x3FBC]  }
0x39: {  	_ = 	snop;
	(pc) =	sbr.ind lr, $3  }
0x3a: {  	_ = 	snop  }
0x3b: {  	_ = 	snop  }
0x3c: {  	p2 =	seq.s32 s10, $0x1;
	s10 =	sld [smem:$0x3FBB]  }
0x3d: {  	_ =	shalt  }
0x3e: {  	_ =	shalt  }
0x3f: {  	_ =	shalt  }
0x40: {  	_ =	shalt  }
0x41: {  	_ =	shalt  }
0x42: {  	_ =	shalt  }
0x43: {  	_ =	shalt  }
0x44: {  	_ =	shalt  }
0x45: {  	_ =	shalt  }
0x46: {  	_ =	shalt  }
0x47: {  	_ =	shalt  }
0x48: {  	_ =	shalt  }
0x49: {  	_ =	shalt  }
0x4a: {  	_ =	shalt  }
0x4b: {  	_ =	shalt  }
0x4c: {  	_ =	shalt  }
0x4d: {  	_ =	shalt  }
0x4e: {  	_ =	shalt  }
0x4f: {  	_ =	shalt  }
0x50: {  	_ =	shalt  }
0x51: {  	_ =	shalt  }
0x52: {  	_ =	shalt  }
0x53: {  	_ =	shalt  }
0x54: {  	_ =	shalt  }
0x55: {  	_ =	shalt  }
0x56: {  	_ =	shalt  }
0x57: {  	_ =	shalt  }
0x58: {  	_ =	shalt  }
0x59: {  	_ =	shalt  }
0x5a: {  	_ =	shalt  }
0x5b: {  	_ =	shalt  }
0x5c: {  	_ =	shalt  }
0x5d: {  	_ =	shalt  }
0x5e: {  	_ =	shalt  }
0x5f: {  	_ =	shalt  }
0x60: {  	_ =	shalt  }
0x61: {  	_ =	shalt  }
0x62: {  	_ =	shalt  }
0x63: {  	_ =	shalt  }
0x64: {  	_ =	shalt  }
0x65: {  	_ =	shalt  }
0x66: {  	_ =	shalt  }
0x67: {  	_ =	shalt  }
0x68: {  	_ =	shalt  }
0x69: {  	_ =	shalt  }
0x6a: {  	_ =	shalt  }
0x6b: {  	_ =	shalt  }
0x6c: {  	_ =	shalt  }
0x6d: {  	_ =	shalt  }
0x6e: {  	_ =	shalt  }
0x6f: {  	_ =	shalt  }
0x70: {  	_ =	shalt  }
0x71: {  	_ =	shalt  }
0x72: {  	_ =	shalt  }
0x73: {  	_ =	shalt  }
0x74: {  	_ =	shalt  }
0x75: {  	_ =	shalt  }
0x76: {  	_ =	shalt  }
0x77: {  	_ =	shalt  }
0x78: {  	_ =	shalt  }
0x79: {  	_ =	shalt  }
0x7a: {  	_ =	shalt  }
0x7b: {  	_ =	shalt  }
0x7c: {  	_ =	shalt  }
0x7d: {  	_ =	shalt  }
0x7e: {  	_ =	shalt  }
0x7f: {  	_ =	shalt  }
0x80: {  	_ =	shalt  }
0x81: {  	_ =	shalt  }
0x82: {  	_ =	shalt  }
0x83: {  	_ =	shalt  }
0x84: {  	_ =	shalt  }
0x85: {  	_ =	shalt  }
0x86: {  	_ =	shalt  }
0x87: {  	_ =	shalt  }
.Lfunc_end0:
.L_simem_size_0:
called_computation_lowered:
.L_overlay_start_0:
0x88: {  	s0 =	sld [smem:$0x3FD9]  }
0x89: {  	s1 =	sld [smem:$0x3FFE];
	_ =	sdelay $0x3  }
0x8a: {  	s0 =	sadd.s32 s1, s0  }
0x8b: {  	[smem:$0x3FC7] =	sst s0  }
0x8c: {  	_ = 	snop  }
0x8d: {  	s0 =	sld [smem:$0x3FD0];
	(tm) =	ssettm $0x1  }
0x8e: {  	s16 =	sld [smem:$0x3FFB];
	_ =	sdelay $0x3  }
0x8f: {  	_ =	strace s16  }
0x90: {  	s1 =	sld [smem:$0x3FFC];
	_ =	sdelay $0x3  }
0x91: {  	_ =	strace s1  }
0x92: {  	s1 =	sld [smem:$0x3FFD];
	_ =	sdelay $0x3  }
0x93: {  	_ =	strace s1  }
0x94: {  	_ =	strace $0x8FFFFFFF  }
0x95: {  	s17 =	sld [smem:$0x3FDB];
	_ =	sdelay $0x1  }
0x96: {  	s2 =	simm.s32 $_scs_section_size  }
0x97: {  	s3 =	simm.s32 $_size__tile_overlayer_lowered;
	s4 =	simm.s32 $_tile_overlayer_lowered  }
0x98: {  	s20 =	simm.s32 $0x1BFF;
	s19 =	sshll.u32 s4, $0x1;
	s1 =	sadd.s32 s2, s17  }
0x99: {  	s5 =	simm.s32 $0x0;
	s18 =	sshll.u32 s3, $0x1;
	s3 =	sadd.s32 s19, s1  }
0x9a: {  	[timem:s5], [sflag:s20] =	dma.local [hbm:s3], s18  }
0x9b: {  	_ =	swait.ge [sflag:s20], s18  }
0x9c: {  	s2 =	ssub.s32 $0x0, s18;
	[sflag:s20] =	ssyncset.done $0x0  }
0x9d: {  	[sflag:s20] =	ssyncadd.s32 s2;
	_ =	sdelay $0x1  }
0x9e: {  	s21 =	simm.s32 $0x1B8B  }
0x9f: {  	_ =	swait.ge [sflag:s21], $0x1  }
0xa0: {  	[sflag:s21] =	ssyncset.done $0x0  }
0xa1: {  	s23 =	simm.s32 $0x1B8E;
	s22 =	sld [smem:$0x3FFE];
	[sflag:s21] =	ssyncadd.s32 $0xFFFFFFFF  }
0xa2: {  	s24 =	simm.s32 $execute0_lowered;
	[smem:$0x3FD2] =	sst s23  }
0xa3: {  	s3 =	sshll.u32 s24, $0x1;
	_ =	strace $0x80000046;
	[dreg:$0x1] =	wrdreg $0xFFFFFFFF  }
0xa4: {  	s25 =	simm.s32 $_size_execute0_lowered;
	s1 =	sadd.s32 s1, s3;
	[dreg:$0x0] =	wrdreg $0x0  }
0xa5: {  	s3 =	sshll.u32 s25, $0x1;
	[dreg:$0x2] =	wrdreg s1  }
0xa6: {  	[dreg:$0x3] =	wrdreg s3  }
0xa7: {  	[dreg:$0x4] =	wrdreg $0xC0  }
0xa8: {  	_ =	task [dreg:s5], $0x5FFFF  }
0xa9: {  	[dreg:$0x1] =	wrdreg $0xFFFFFFFF  }
0xaa: {  	[dreg:$0x0] =	wrdreg $0x60  }
0xab: {  	[dreg:$0x2] =	wrdreg s22  }
0xac: {  	[dreg:$0x3] =	wrdreg s0  }
0xad: {  	[dreg:$0x4] =	wrdreg $0x5A000  }
0xae: {  	[dreg:$0x5] =	wrdreg $0x9  }
0xaf: {  	_ =	task.clear_ibuf [dreg:s5], $0x6FFFF;
	_ =	strace $0x90000046  }
0xb0: {  	s26 =	simm.s32 $0x9;
	_ =	strace $0x80000048  }
0xb1: {  	_ =	swait.ge [sflag:s26], $0x1  }
0xb2: {  	[sflag:s26] =	ssyncadd.s32 $0xFFFFFFFF  }
0xb3: {  	_ =	strace $0x90000048  }
0xb4: {  	_ =	sfence  }
0xb5: {  	s28 =	sld [smem:$0x0];
	_ =	sdelay $0x1  }
0xb6: {  	s29 =	srdreg.scid  }
0xb7: {  	s30 =	sshll.u32 s29, $0xD;
	s31 =	sshrl.u32 s29, $0x2  }
0xb8: {  	s2 =	sand.u32 $0x4000, s30;
	s1 =	sand.u32 $0x1, s29;
	s0 =	sadd.s32 s31, s28  }
0xb9: {  	s1 =	sor.u32 s2, s1;
	s0 =	sshll.u32 s0, $0x11  }
0xba: {  	s0 =	sor.u32 s0, s1  }
0xbb: {  	s0 =	sadd.s32 $0x8F2B, s0  }
0xbc: {  	[sflag:s0] =	ssyncadd.remote.s32 $0x1  }
0xbd: {  	_ =	sfence.sel $0xFFFF  }
0xbe: {  	[dreg:$0x0] =	wrdreg $0xFFFFFFFF;
	(pc) =	sbr.abs _section_cstart, $3  }
0xbf: {  	[dreg:$0x1] =	wrdreg $0xFFFFFFFF  }
0xc0: {  	_ =	task.clear_ibuf [dreg:s5], $0x2FFFF;
	_ =	strace $0x9FFFFFFF  }
0xc1: {  	(tm) =	ssettm $0x7FFFFFFF  }
tec
execute0_lowered:
.L_overlay_start_1:
0x0: {  	(tag) =	ssettag $0x1  }
0x1: {  	s4 =	rddreg [dreg:$0x0]  }
0x2: {  	s2 =	rddreg [dreg:$0x1];
	s1 =	stileid.u32  }
0x3: {  	s3 =	rddreg [dreg:$0x2];
	s6 =	simm.s32 $0x0;
	s5 =	sshll.u32 s1, $0xB  }
0x4: {  	[smem:$0x7FF] =	sst s6;
	s4 =	sadd.s32 s5, s4  }
0x5: {  	s0 =	rddreg [dreg:$0x3];
	_ =	strace $0x80000047;
	s4 =	sadd.s32 $0x400, s4  }
0x6: {  	v0 =	vimm.f32 $0.0e+00;
	[tilespmem:s6], [sflag:$0x1] =	stream.linear.gather [hbm4b:s4+s6], $0x4000, $0x38;
	[tilespmem:$0x5A40] =	vst v63  }
0x7: {  	[tilespmem:$0x4000] =	vst v0  }
0x8: {  	[tilespmem:$0x4010] =	vst v0  }
0x9: {  	[tilespmem:$0x4020] =	vst v0  }
0xa: {  	[tilespmem:$0x4030] =	vst v0  }
0xb: {  	[tilespmem:$0x4040] =	vst v0  }
0xc: {  	[tilespmem:$0x4050] =	vst v0  }
0xd: {  	[tilespmem:$0x4060] =	vst v0  }
0xe: {  	[tilespmem:$0x4070] =	vst v0  }
0xf: {  	[tilespmem:$0x4080] =	vst v0  }
0x10: {  	[tilespmem:$0x4090] =	vst v0  }
0x11: {  	[tilespmem:$0x40A0] =	vst v0  }
0x12: {  	[tilespmem:$0x40B0] =	vst v0  }
0x13: {  	[tilespmem:$0x40C0] =	vst v0  }
0x14: {  	[tilespmem:$0x40D0] =	vst v0  }
0x15: {  	[tilespmem:$0x40E0] =	vst v0  }
0x16: {  	[tilespmem:$0x40F0] =	vst v0  }
0x17: {  	[tilespmem:$0x4100] =	vst v0  }
0x18: {  	[tilespmem:$0x4110] =	vst v0  }
0x19: {  	[tilespmem:$0x4120] =	vst v0  }
0x1a: {  	[tilespmem:$0x4130] =	vst v0  }
0x1b: {  	[tilespmem:$0x4140] =	vst v0  }
0x1c: {  	[tilespmem:$0x4150] =	vst v0  }
0x1d: {  	[tilespmem:$0x4160] =	vst v0  }
0x1e: {  	[tilespmem:$0x4170] =	vst v0  }
0x1f: {  	[tilespmem:$0x4180] =	vst v0  }
0x20: {  	[tilespmem:$0x4190] =	vst v0  }
0x21: {  	[tilespmem:$0x41A0] =	vst v0  }
0x22: {  	[tilespmem:$0x41B0] =	vst v0  }
0x23: {  	[tilespmem:$0x41C0] =	vst v0  }
0x24: {  	[tilespmem:$0x41D0] =	vst v0  }
0x25: {  	[tilespmem:$0x41E0] =	vst v0  }
0x26: {  	[tilespmem:$0x41F0] =	vst v0  }
0x27: {  	[tilespmem:$0x4200] =	vst v0  }
0x28: {  	[tilespmem:$0x4210] =	vst v0  }
0x29: {  	[tilespmem:$0x4220] =	vst v0  }
0x2a: {  	[tilespmem:$0x4230] =	vst v0  }
0x2b: {  	[tilespmem:$0x4240] =	vst v0  }
0x2c: {  	[tilespmem:$0x4250] =	vst v0  }
0x2d: {  	[tilespmem:$0x4260] =	vst v0  }
0x2e: {  	[tilespmem:$0x4270] =	vst v0  }
0x2f: {  	[tilespmem:$0x4280] =	vst v0  }
0x30: {  	[tilespmem:$0x4290] =	vst v0  }
0x31: {  	[tilespmem:$0x42A0] =	vst v0  }
0x32: {  	[tilespmem:$0x42B0] =	vst v0  }
0x33: {  	[tilespmem:$0x42C0] =	vst v0  }
0x34: {  	[tilespmem:$0x42D0] =	vst v0  }
0x35: {  	[tilespmem:$0x42E0] =	vst v0  }
0x36: {  	[tilespmem:$0x42F0] =	vst v0  }
0x37: {  	[tilespmem:$0x4300] =	vst v0  }
0x38: {  	[tilespmem:$0x4310] =	vst v0  }
0x39: {  	[tilespmem:$0x4320] =	vst v0  }
0x3a: {  	[tilespmem:$0x4330] =	vst v0  }
0x3b: {  	[tilespmem:$0x4340] =	vst v0  }
0x3c: {  	[tilespmem:$0x4350] =	vst v0  }
0x3d: {  	[tilespmem:$0x4360] =	vst v0  }
0x3e: {  	[tilespmem:$0x4370] =	vst v0  }
0x3f: {  	[tilespmem:$0x4380] =	vst v0  }
0x40: {  	[tilespmem:$0x4390] =	vst v0  }
0x41: {  	[tilespmem:$0x43A0] =	vst v0  }
0x42: {  	[tilespmem:$0x43B0] =	vst v0  }
0x43: {  	[tilespmem:$0x43C0] =	vst v0  }
0x44: {  	[tilespmem:$0x43D0] =	vst v0  }
0x45: {  	[tilespmem:$0x43E0] =	vst v0  }
0x46: {  	[tilespmem:$0x43F0] =	vst v0  }
0x47: {  	[tilespmem:$0x4400] =	vst v0  }
0x48: {  	[tilespmem:$0x4410] =	vst v0  }
0x49: {  	[tilespmem:$0x4420] =	vst v0  }
0x4a: {  	[tilespmem:$0x4430] =	vst v0  }
0x4b: {  	[tilespmem:$0x4440] =	vst v0  }
0x4c: {  	[tilespmem:$0x4450] =	vst v0  }
0x4d: {  	[tilespmem:$0x4460] =	vst v0  }
0x4e: {  	[tilespmem:$0x4470] =	vst v0  }
0x4f: {  	[tilespmem:$0x4480] =	vst v0  }
0x50: {  	[tilespmem:$0x4490] =	vst v0  }
0x51: {  	[tilespmem:$0x44A0] =	vst v0  }
0x52: {  	[tilespmem:$0x44B0] =	vst v0  }
0x53: {  	[tilespmem:$0x44C0] =	vst v0  }
0x54: {  	[tilespmem:$0x44D0] =	vst v0  }
0x55: {  	[tilespmem:$0x44E0] =	vst v0  }
0x56: {  	[tilespmem:$0x44F0] =	vst v0  }
0x57: {  	[tilespmem:$0x4500] =	vst v0  }
0x58: {  	[tilespmem:$0x4510] =	vst v0  }
0x59: {  	[tilespmem:$0x4520] =	vst v0  }
0x5a: {  	[tilespmem:$0x4530] =	vst v0  }
0x5b: {  	[tilespmem:$0x4540] =	vst v0  }
0x5c: {  	[tilespmem:$0x4550] =	vst v0  }
0x5d: {  	[tilespmem:$0x4560] =	vst v0  }
0x5e: {  	[tilespmem:$0x4570] =	vst v0  }
0x5f: {  	[tilespmem:$0x4580] =	vst v0  }
0x60: {  	[tilespmem:$0x4590] =	vst v0  }
0x61: {  	[tilespmem:$0x45A0] =	vst v0  }
0x62: {  	[tilespmem:$0x45B0] =	vst v0  }
0x63: {  	[tilespmem:$0x45C0] =	vst v0  }
0x64: {  	[tilespmem:$0x45D0] =	vst v0  }
0x65: {  	[tilespmem:$0x45E0] =	vst v0  }
0x66: {  	[tilespmem:$0x45F0] =	vst v0  }
0x67: {  	[tilespmem:$0x4600] =	vst v0  }
0x68: {  	[tilespmem:$0x4610] =	vst v0  }
0x69: {  	[tilespmem:$0x4620] =	vst v0  }
0x6a: {  	[tilespmem:$0x4630] =	vst v0  }
0x6b: {  	[tilespmem:$0x4640] =	vst v0  }
0x6c: {  	[tilespmem:$0x4650] =	vst v0  }
0x6d: {  	[tilespmem:$0x4660] =	vst v0  }
0x6e: {  	[tilespmem:$0x4670] =	vst v0  }
0x6f: {  	[tilespmem:$0x4680] =	vst v0  }
0x70: {  	[tilespmem:$0x4690] =	vst v0  }
0x71: {  	[tilespmem:$0x46A0] =	vst v0  }
0x72: {  	[tilespmem:$0x46B0] =	vst v0  }
0x73: {  	[tilespmem:$0x46C0] =	vst v0  }
0x74: {  	[tilespmem:$0x46D0] =	vst v0  }
0x75: {  	[tilespmem:$0x46E0] =	vst v0  }
0x76: {  	[tilespmem:$0x46F0] =	vst v0  }
0x77: {  	[tilespmem:$0x4700] =	vst v0  }
0x78: {  	[tilespmem:$0x4710] =	vst v0  }
0x79: {  	[tilespmem:$0x4720] =	vst v0  }
0x7a: {  	[tilespmem:$0x4730] =	vst v0  }
0x7b: {  	[tilespmem:$0x4740] =	vst v0  }
0x7c: {  	[tilespmem:$0x4750] =	vst v0  }
0x7d: {  	[tilespmem:$0x4760] =	vst v0  }
0x7e: {  	[tilespmem:$0x4770] =	vst v0  }
0x7f: {  	[tilespmem:$0x4780] =	vst v0  }
0x80: {  	[tilespmem:$0x4790] =	vst v0  }
0x81: {  	[tilespmem:$0x47A0] =	vst v0  }
0x82: {  	[tilespmem:$0x47B0] =	vst v0  }
0x83: {  	[tilespmem:$0x47C0] =	vst v0  }
0x84: {  	[tilespmem:$0x47D0] =	vst v0  }
0x85: {  	s4 =	sshll.u32 s1, $0x8;
	[tilespmem:$0x47E0] =	vst v0  }
0x86: {  	s7 =	simm.s32 $0x4000;
	s30 =	simm.s32 $0x1;
	s2 =	sadd.s32 s2, s4;
	[tilespmem:$0x47F0] =	vst v0  }
0x87: {  	[hbm4b:s2+s6] =	stream.linear.scatter [tilespmem:s7], [sflag:$0x2], $0x800, $0x38;
	[tilespmem:$0x5A40] =	vst v63  }
0x88: {  	_ =	swait.ge [sflag:s30], $0x4000  }
0x89: {  	[sflag:s30] =	ssyncset.done $0x0  }
0x8a: {  	s31 =	simm.s32 $0x0;
	[sflag:s30] =	ssyncadd.s32 $0xFFFFC000  }
0x8b: {  	v0 =	vld [tilespmem:s31+$0x0];
	_ =	sdelay $0x1  }
0x8c: {  	v1 =	vld [tilespmem:s31+$0x80];
	_ =	sdelay $0x1  }
0x8d: {  	v2 =	vimm.f32 $-Inf;
	v3 =	vld [tilespmem:s31+$0x100]  }
0x8e: {  	vm0 =	vgt.f32 v0, v2  }
0x8f: {  	v0 =	vsel vm0, v0, v2;
	v2 =	vld [tilespmem:s31+$0x180]  }
0x90: {  	vm1 =	vgt.f32 v1, v0  }
0x91: {  	v1 =	vsel vm1, v1, v0  }
0x92: {  	v0 =	vlaneseq.u32;
	vm2 =	vgt.f32 v3, v1  }
0x93: {  	v5 =	vimm.s32 $0x0;
	v4 =	vld [tilespmem:s31+$0x200];
	v0 =	vor.u32 s5, v0;
	v3 =	vsel vm2, v3, v1  }
0x94: {  	v5 =	vsel vm0, v0, v5;
	v6 =	vadd.s32 $0x10, v0;
	vm0 =	vgt.f32 v2, v3  }
0x95: {  	v1 =	vld [tilespmem:s31+$0x280];
	v5 =	vsel vm1, v6, v5;
	v3 =	vsel vm0, v2, v3;
	v2 =	vadd.s32 $0x20, v0  }
0x96: {  	v2 =	vsel vm2, v2, v5;
	v5 =	vadd.s32 $0x30, v0  }
0x97: {  	v5 =	vsel vm0, v5, v2;
	v2 =	vld [tilespmem:s31+$0x300]  }
0x98: {  	vm1 =	vgt.f32 v4, v3  }
0x99: {  	v7 =	vadd.s32 $0x40, v0;
	v6 =	vsel vm1, v4, v3;
	v3 =	vld [tilespmem:s31+$0x380]  }
0x9a: {  	s6 =	simm.s32 $0x2000;
	s5 =	simm.s32 $0x400;
	v4 =	vsel vm1, v7, v5;
	v5 =	vadd.s32 $0x50, v0;
	vm0 =	vgt.f32 v1, v6  }
.LBB2_1:
0x9b: {  	p0 =	sne.s32 s6, $0xF000;
	v7 =	vld [tilespmem:s5+$0x0];
	v1 =	vsel vm0, v1, v6;
	v4 =	vsel vm0, v5, v4  }
0x9c: {  	v5 =	vadd.s32 $0x60, v0;
	vm0 =	vgt.f32 v2, v1  }
0x9d: {  	v6 =	vld [tilespmem:s5+$0x80];
	v1 =	vsel vm0, v2, v1;
	v2 =	vsel vm0, v5, v4  }
0x9e: {  	v4 =	vadd.s32 $0x70, v0;
	vm0 =	vgt.f32 v3, v1  }
0x9f: {  	v5 =	vld [tilespmem:s5+$0x100];
	v1 =	vsel vm0, v3, v1;
	v2 =	vsel vm0, v4, v2  }
0xa0: {  	v0 =	vadd.s32 $0x80, v0;
	vm0 =	vgt.f32 v7, v1  }
0xa1: {  	v1 =	vsel vm0, v7, v1;
	v2 =	vsel vm0, v0, v2;
	v3 =	vld [tilespmem:s5+$0x180]  }
0xa2: {  	v4 =	vadd.s32 $0x10, v0;
	vm0 =	vgt.f32 v6, v1  }
0xa3: {  	v1 =	vsel vm0, v6, v1;
	v2 =	vsel vm0, v4, v2;
	v4 =	vld [tilespmem:s5+$0x200]  }
0xa4: {  	v6 =	vadd.s32 $0x20, v0;
	vm0 =	vgt.f32 v5, v1  }
0xa5: {  	v5 =	vsel vm0, v5, v1;
	v2 =	vsel vm0, v6, v2;
	v1 =	vld [tilespmem:s5+$0x280]  }
.Ltmp0:
0xa6: {  	v6 =	vadd.s32 $0x30, v0;
	vm0 =	vgt.f32 v3, v5;
	(pc) =	sbr.rel @p0 .LBB2_1-.Ltmp0, $4  }
0xa7: {  	v3 =	vsel vm0, v3, v5;
	v5 =	vsel vm0, v6, v2;
	v2 =	vld [tilespmem:s5+$0x300]  }
0xa8: {  	v7 =	vadd.s32 $0x40, v0;
	vm0 =	vgt.f32 v4, v3  }
0xa9: {  	v6 =	vsel vm0, v4, v3;
	v4 =	vsel vm0, v7, v5;
	v3 =	vld [tilespmem:s5+$0x380]  }
0xaa: {  	s5 =	sshra.s32 s6, $0x2;
	s6 =	sadd.s32 $0x1000, s6;
	v5 =	vadd.s32 $0x50, v0;
	vm0 =	vgt.f32 v1, v6  }
0xab: {  	v7 =	vld [tilespmem:s5+$0x0];
	v1 =	vsel vm0, v1, v6  }
0xac: {  	vm1 =	vgt.f32 v2, v1  }
0xad: {  	v63 =	vld [tilespmem:s5+$0x80];
	v1 =	vsel vm1, v2, v1  }
0xae: {  	vm2 =	vgt.f32 v3, v1  }
0xaf: {  	v9 =	vld [tilespmem:s5+$0x100];
	v1 =	vsel vm2, v3, v1  }
0xb0: {  	vm3 =	vgt.f32 v7, v1  }
0xb1: {  	v10 =	vld [tilespmem:s5+$0x180];
	v1 =	vsel vm3, v7, v1  }
0xb2: {  	vm4 =	vgt.f32 v63, v1  }
0xb3: {  	v11 =	vld [tilespmem:s5+$0x200];
	v1 =	vsel vm4, v63, v1  }
0xb4: {  	vm5 =	vgt.f32 v9, v1  }
0xb5: {  	v12 =	vld [tilespmem:s5+$0x280];
	v1 =	vsel vm5, v9, v1  }
0xb6: {  	v4 =	vsel vm0, v5, v4;
	v13 =	vadd.s32 $0x60, v0;
	vm14 =	vgt.f32 v10, v1  }
0xb7: {  	v14 =	vadd.s32 $0x70, v0;
	v15 =	vld [tilespmem:s5+$0x300];
	v4 =	vsel vm1, v13, v4;
	v1 =	vsel vm14, v10, v1  }
0xb8: {  	v16 =	vadd.s32 $0x80, v0;
	v4 =	vsel vm2, v14, v4;
	vm15 =	vgt.f32 v11, v1  }
0xb9: {  	v18 =	vld [tilespmem:s5+$0x380];
	v17 =	vadd.s32 $0x10, v16;
	v4 =	vsel vm3, v16, v4;
	v1 =	vsel vm15, v11, v1  }
0xba: {  	v19 =	vadd.s32 $0x20, v16;
	v4 =	vsel vm4, v17, v4;
	vm6 =	vgt.f32 v12, v1  }
0xbb: {  	v20 =	vadd.s32 $0x30, v16;
	v4 =	vsel vm5, v19, v4;
	v1 =	vsel vm6, v12, v1  }
0xbc: {  	v22 =	vadd.s32 $0x40, v16;
	v21 =	vsel vm14, v20, v4;
	vm7 =	vgt.f32 v15, v1  }
0xbd: {  	v23 =	vadd.s32 $0x50, v16;
	v2 =	vsel vm15, v22, v21;
	v1 =	vsel vm7, v15, v1  }
0xbe: {  	v24 =	vadd.s32 $0x60, v16;
	v2 =	vsel vm6, v23, v2;
	vm8 =	vgt.f32 v18, v1  }
0xbf: {  	v0 =	vadd.s32 $0x70, v16;
	v2 =	vsel vm7, v24, v2;
	v1 =	vsel vm8, v18, v1  }
0xc0: {  	s4 =	sadd.s32 s4, s3;
	v0 =	vsel vm8, v0, v2;
	[tilespmem:$0x4800] =	vst v1  }
0xc1: {  	s23 =	simm.s32 $0x4800;
	s24 =	simm.s32 $0x3;
	s4 =	sadd.s32 $0x1000, s4;
	[tilespmem:$0x4880] =	vst v0  }
0xc2: {  	[spmem:s4] =	stream.linear.scatter [tilespmem:s23], [sflag:$0x3], $0x100, $0x38;
	[tilespmem:$0x5A40] =	vst v63  }
0xc3: {  	_ =	swait.ge [sflag:s24], $0x100  }
0xc4: {  	[sflag:s24] =	ssyncset.done $0x0  }
0xc5: {  	[sflag:s24] =	ssyncadd.s32 $0xFFFFFF00  }
0xc6: {  	s25 =	sadd.s32 $0x1000, s3;
	s26 =	simm.s32 $0x4A00;
	[bflag:$0x0] =	sbarrier.arrive $0xFFFF  }
0xc7: {  	[tilespmem:s26], [sflag:$0x3] =	stream.linear.gather [spmem:s25], $0x1000, $0x38;
	[tilespmem:$0x5A40] =	vst v63  }
0xc8: {  	_ =	swait.ge [sflag:s24], $0x1000  }
0xc9: {  	[sflag:s24] =	ssyncset.done $0x0  }
0xca: {  	[sflag:s24] =	ssyncadd.s32 $0xFFFFF000  }
0xcb: {  	v25 =	vld [tilespmem:$0x4A00];
	_ =	sdelay $0x2  }
0xcc: {  	v26 =	vld [tilespmem:$0x4B00]  }
0xcd: {  	v27 =	vld [tilespmem:$0x4A80]  }
0xce: {  	v28 =	vld [tilespmem:$0x4C00];
	vm9 =	vlt.f32 v25, $-Inf;
	vm10 =	vgt.f32 v25, $-Inf  }
0xcf: {  	v29 =	vld [tilespmem:$0x4B80];
	vm0 =	vmor vm10, vm9  }
0xd0: {  	v30 =	vld [tilespmem:$0x4D00];
	v0 =	vnsel vm0, $0xFF800000, v25  }
0xd1: {  	v31 =	vld [tilespmem:$0x4C80];
	vm11 =	vgt.f32 v26, v0  }
0xd2: {  	v32 =	vld [tilespmem:$0x4E00];
	v0 =	vsel vm11, v26, v0  }
0xd3: {  	v33 =	vld [tilespmem:$0x4D80];
	vm12 =	vgt.f32 v28, v0  }
0xd4: {  	v34 =	vld [tilespmem:$0x4F00];
	v0 =	vsel vm12, v28, v0  }
0xd5: {  	v8 =	vld [tilespmem:$0x4E80];
	vm13 =	vgt.f32 v30, v0  }
0xd6: {  	v35 =	vld [tilespmem:$0x5000];
	v0 =	vsel vm13, v30, v0  }
0xd7: {  	v9 =	vld [tilespmem:$0x4F80];
	vm14 =	vgt.f32 v32, v0  }
0xd8: {  	v36 =	vld [tilespmem:$0x5100];
	v0 =	vsel vm14, v32, v0  }
0xd9: {  	v10 =	vld [tilespmem:$0x5080];
	vm15 =	vgt.f32 v34, v0  }
0xda: {  	v37 =	vld [tilespmem:$0x5200];
	v0 =	vsel vm15, v34, v0  }
0xdb: {  	v11 =	vld [tilespmem:$0x5180];
	vm6 =	vgt.f32 v35, v0  }
0xdc: {  	v38 =	vld [tilespmem:$0x5300];
	v0 =	vsel vm6, v35, v0  }
0xdd: {  	v12 =	vld [tilespmem:$0x5280];
	vm7 =	vgt.f32 v36, v0  }
0xde: {  	v39 =	vld [tilespmem:$0x5400];
	v0 =	vsel vm7, v36, v0  }
0xdf: {  	v13 =	vld [tilespmem:$0x5380];
	vm8 =	vgt.f32 v37, v0  }
0xe0: {  	v40 =	vld [tilespmem:$0x5500];
	v2 =	vnsel vm0, $0x0, v27;
	v0 =	vsel vm8, v37, v0  }
0xe1: {  	v41 =	vld [tilespmem:$0x5480];
	v2 =	vsel vm11, v29, v2;
	vm9 =	vgt.f32 v38, v0  }
0xe2: {  	v42 =	vld [tilespmem:$0x5600];
	v2 =	vsel vm12, v31, v2;
	v0 =	vsel vm9, v38, v0  }
0xe3: {  	v43 =	vld [tilespmem:$0x5580];
	v2 =	vsel vm13, v33, v2;
	vm10 =	vgt.f32 v39, v0  }
0xe4: {  	v46 =	vimm.s32 $0xFEDCBA98;
	v44 =	vld [tilespmem:$0x5700];
	v2 =	vsel vm14, v8, v2;
	v0 =	vsel vm10, v39, v0  }
0xe5: {  	v48 =	vimm.s32 $0x76543210;
	v45 =	vld [tilespmem:$0x5680];
	v2 =	vsel vm15, v9, v2;
	vm11 =	vgt.f32 v40, v0  }
0xe6: {  	v47 =	vld [tilespmem:$0x5800];
	v8 =	vunpack.c.l.s4.s8 v46;
	v2 =	vsel vm6, v10, v2;
	v0 =	vsel vm11, v40, v0  }
0xe7: {  	v49 =	vld [tilespmem:$0x5780];
	v9 =	vunpack.c.l.s4.s8 v48;
	v2 =	vsel vm7, v11, v2;
	vm12 =	vgt.f32 v42, v0  }
0xe8: {  	v50 =	vld [tilespmem:$0x5900];
	v8 =	vunpack.c.0.s8.s32 v8;
	v2 =	vsel vm8, v12, v2;
	v0 =	vsel vm12, v42, v0  }
0xe9: {  	v51 =	vld [tilespmem:$0x5880];
	v9 =	vunpack.c.0.s8.s32 v9;
	v2 =	vsel vm9, v13, v2;
	vm13 =	vgt.f32 v44, v0  }
0xea: {  	v52 =	vld [tilespmem:$0x5980];
	v53 =	vand.u32 $0xF, v8;
	v2 =	vsel vm10, v41, v2;
	v0 =	vsel vm13, v44, v0  }
0xeb: {  	v4 =	vcombine.low v53, v9;
	v2 =	vsel vm11, v43, v2;
	vm14 =	vgt.f32 v47, v0  }
0xec: {  	v2 =	vsel vm12, v45, v2;
	v0 =	vsel vm14, v47, v0  }
0xed: {  	v2 =	vsel vm13, v49, v2;
	vm15 =	vgt.f32 v50, v0  }
0xee: {  	v2 =	vsel vm14, v51, v2;
	v0 =	vsel vm15, v50, v0  }
0xef: {  	v1 =	vsel vm15, v52, v2;
	[tilespmem:$0x4900] =	vst v0  }
0xf0: {  	s28 =	simm.s32 $0x4900;
	[tilespmem:$0x4980] =	vst v1  }
0xf1: {  	s29 =	simm.s32 $0x4980;
	v55 =	vimm.s32 $0xBA98FEDC;
	v56 =	vimm.s32 $0x32107654;
	v54 =	vld.idx.msk [tilespmem:v4+s28+$0x0], $0xffff  }
0xf2: {  	v5 =	vunpack.c.l.s4.s8 v56;
	v3 =	vunpack.c.l.s4.s8 v55;
	v4 =	vld.idx.msk [tilespmem:v4+s29+$0x0], $0xffff;
	_ =	sdelay $0x1  }
0xf3: {  	v5 =	vunpack.c.0.s8.s32 v5;
	v3 =	vunpack.c.0.s8.s32 v3;
	_ =	sdelay $0x1  }
0xf4: {  	v3 =	vcombine.low v5, v3  }
0xf5: {  	vm4 =	veq.f32 v54, v0;
	vm5 =	vlt.s32 v4, v1  }
0xf6: {  	v3 =	vand.u32 $0xF, v3;
	vm6 =	vgt.f32 v54, v0;
	vm0 =	vmand vm4, vm5  }
0xf7: {  	vm0 =	vmor vm6, vm0  }
0xf8: {  	v0 =	vsel vm0, v54, v0  }
0xf9: {  	v1 =	vsel vm0, v4, v1;
	[tilespmem:$0x4900] =	vst v0  }
0xfa: {  	[tilespmem:$0x4980] =	vst v1  }
0xfb: {  	v58 =	vimm.s32 $0xDCFE98BA;
	v59 =	vimm.s32 $0x54761032;
	v57 =	vld.idx.msk [tilespmem:v3+s28+$0x0], $0xffff  }
0xfc: {  	v5 =	vunpack.c.l.s4.s8 v59;
	v4 =	vunpack.c.l.s4.s8 v58;
	v3 =	vld.idx.msk [tilespmem:v3+s29+$0x0], $0xffff;
	_ =	sdelay $0x1  }
0xfd: {  	v5 =	vunpack.c.0.s8.s32 v5;
	v4 =	vunpack.c.0.s8.s32 v4;
	_ =	sdelay $0x1  }
0xfe: {  	v4 =	vcombine.low v5, v4  }
0xff: {  	vm7 =	veq.f32 v57, v0;
	vm8 =	vlt.s32 v3, v1  }
0x100: {  	v4 =	vand.u32 $0xF, v4;
	vm9 =	vgt.f32 v57, v0;
	vm0 =	vmand vm7, vm8  }
0x101: {  	vm0 =	vmor vm9, vm0  }
0x102: {  	v0 =	vsel vm0, v57, v0  }
0x103: {  	v1 =	vsel vm0, v3, v1;
	[tilespmem:$0x4900] =	vst v0  }
0x104: {  	[tilespmem:$0x4980] =	vst v1  }
0x105: {  	v61 =	vimm.s32 $0xEFCDAB89;
	v62 =	vimm.s32 $0x67452301;
	v60 =	vld.idx.msk [tilespmem:v4+s28+$0x0], $0xffff  }
0x106: {  	v5 =	vunpack.c.l.s4.s8 v62;
	v3 =	vunpack.c.l.s4.s8 v61;
	v4 =	vld.idx.msk [tilespmem:v4+s29+$0x0], $0xffff;
	_ =	sdelay $0x1  }
0x107: {  	v5 =	vunpack.c.0.s8.s32 v5;
	v3 =	vunpack.c.0.s8.s32 v3;
	_ =	sdelay $0x1  }
0x108: {  	v3 =	vcombine.low v5, v3  }
0x109: {  	vm10 =	veq.f32 v60, v0;
	vm11 =	vlt.s32 v4, v1  }
0x10a: {  	v3 =	vand.u32 $0xF, v3;
	vm12 =	vgt.f32 v60, v0;
	vm0 =	vmand vm10, vm11  }
0x10b: {  	vm0 =	vmor vm12, vm0  }
0x10c: {  	v0 =	vsel vm0, v60, v0  }
0x10d: {  	v1 =	vsel vm0, v4, v1;
	[tilespmem:$0x4900] =	vst v0  }
0x10e: {  	[tilespmem:$0x4980] =	vst v1  }
0x10f: {  	v63 =	vld.idx.msk [tilespmem:v3+s28+$0x0], $0xffff  }
0x110: {  	v3 =	vld.idx.msk [tilespmem:v3+s29+$0x0], $0xffff;
	_ =	sdelay $0x4  }
0x111: {  	vm13 =	veq.f32 v63, v0;
	vm14 =	vlt.s32 v3, v1  }
0x112: {  	vm15 =	vgt.f32 v63, v0;
	vm0 =	vmand vm13, vm14  }
0x113: {  	s30 =	simm.s32 $0x2;
	vm0 =	vmor vm15, vm0  }
0x114: {  	_ =	swait.ge [sflag:s30], $0x800;
	v0 =	vsel vm0, v3, v1  }
0x115: {  	(v2sf) =	vpush v0, $0x0;
	_ =	sdelay $0xe  }
0x116: {  	s31 =	spop (v2sf)  }
0x117: {  	s5 =	sshll.u32 s1, $0x4;
	s4 =	sshra.s32 s31, $0x7  }
0x118: {  	s6 =	sadd.s32 $0x10, s5;
	p0 =	slt.s32 s4, s5  }
0x119: {  	p1 =	sge.s32 @!p0 s4, s6  }
0x11a: {  	p0 =	por p1, p0  }
0x11b: {  	v0 =	vand.u32 @!p0 $0x7F, v0;
	s4 =	ssub.s32 @!p0 s4, s5;
	v1 =	vlaneseq.u32 @!p0  }
0x11c: {  	[sflag:s30] =	ssyncset.done $0x0;
	v2 =	vimm.f32 @!p0 $0.0e+00;
	vm0 =	veq.s32 @!p0 v0, v1;
	s4 =	sshll.u32 @!p0 s4, $0x9;
	v3 =	vor.u32 @!p0 $0x10, v1  }
0x11d: {  	[sflag:s30] =	ssyncadd.s32 $0xFFFFF800;
	v4 =	vsel @!p0 vm0, $0x3F800000, v2;
	s3 =	sshra.s32 @!p0 s4, $0x2;
	vm0 =	veq.s32 @!p0 v0, v3;
	v3 =	vor.u32 @!p0 $0x20, v1  }
0x11e: {  	[tilespmem:s3+$0x4000] =	vst @!p0 v4;
	v4 =	vsel @!p0 vm0, $0x3F800000, v2;
	vm0 =	veq.s32 @!p0 v0, v3;
	v3 =	vor.u32 @!p0 $0x30, v1  }
0x11f: {  	[tilespmem:s3+$0x4010] =	vst @!p0 v4;
	v4 =	vsel @!p0 vm0, $0x3F800000, v2;
	vm0 =	veq.s32 @!p0 v0, v3;
	v3 =	vor.u32 @!p0 $0x40, v1  }
0x120: {  	[tilespmem:s3+$0x4020] =	vst @!p0 v4;
	v4 =	vsel @!p0 vm0, $0x3F800000, v2;
	vm0 =	veq.s32 @!p0 v0, v3;
	v3 =	vor.u32 @!p0 $0x50, v1  }
0x121: {  	[tilespmem:s3+$0x4030] =	vst @!p0 v4;
	v4 =	vsel @!p0 vm0, $0x3F800000, v2;
	vm0 =	veq.s32 @!p0 v0, v3;
	v3 =	vor.u32 @!p0 $0x60, v1  }
0x122: {  	v1 =	vor.u32 @!p0 $0x70, v1;
	[tilespmem:s3+$0x4040] =	vst @!p0 v4;
	v4 =	vsel @!p0 vm0, $0x3F800000, v2;
	vm0 =	veq.s32 @!p0 v0, v3  }
0x123: {  	[tilespmem:s3+$0x4050] =	vst @!p0 v4;
	v3 =	vsel @!p0 vm0, $0x3F800000, v2;
	vm0 =	veq.s32 @!p0 v0, v1  }
0x124: {  	[tilespmem:s3+$0x4060] =	vst @!p0 v3;
	v0 =	vsel @!p0 vm0, $0x3F800000, v2  }
0x125: {  	s4 =	simm.s32 @!p0 $0x4000;
	[tilespmem:s3+$0x4070] =	vst @!p0 v0;
	s3 =	simm.s32 @!p0 $0x0  }
0x126: {  	[hbm4b:s2+s3] =	stream.linear.scatter @!p0 [tilespmem:s4], [sflag:$0x3], $0x800, $0x38;
	[tilespmem:$0x5A40] =	vst v63  }
0x127: {  	s2 =	simm.s32 @!p0 $0x3  }
0x128: {  	_ =	swait.ge @!p0 [sflag:s2], $0x800  }
0x129: {  	[sflag:s2] =	ssyncset.done @!p0 $0x0  }
0x12a: {  	[sflag:s2] =	ssyncadd.s32 @!p0 $0xFFFFF800  }
0x12b: {  	_ =	sfence.sel $0x180000  }
0x12c: {  	[bflag:$0x0] =	sbarrier.arrive $0xFFFF  }
0x12d: {  	p0 =	sne.s32 s1, $0x0;
	_ =	strace $0x90000047  }
0x12e: {  	s0 =	sadd.s32 @!p0 $0x100000, s0;
	[bflag:$0x2] =	sbarrier.arrive $0xFFFF  }
0x12f: {  	[sflag:s0] =	ssyncadd.tile.s32 @!p0 $0x1;
	_ =	shalt  }
.Lfunc_end2:
_tile_overlayer_lowered:
.L_overlay_start_2:
0x130: {  	(tag) =	ssettag $0x2  }
0x131: {  	s0 =	rddreg [dreg:$0x0];
	s2 =	stileid.u32  }
0x132: {  	s1 =	rddreg [dreg:$0x1];
	p0 =	sne.s32 s2, $0x0  }
0x133: {  	s3 =	rddreg [dreg:$0x2];
	[bflag:$0x3] =	sbarrier.arrive $0xFFFF;
	s2 =	simm.s32 @!p0 $0x1C03  }
0x134: {  	[timem:s3], [sflag:s2] =	dma.local @!p0 [hbm:s0], s1  }
0x135: {  	s0 =	simm.s32 @!p0 $0x3  }
0x136: {  	_ =	swait.ge @!p0 [sflag:s0], s1  }
0x137: {  	s1 =	ssub.s32 @!p0 $0x0, s1;
	[sflag:s0] =	ssyncset.done @!p0 $0x0  }
0x138: {  	[sflag:s0] =	ssyncadd.s32 @!p0 s1  }
0x139: {  	[bflag:$0x3] =	sbarrier.arrive $0xFFFF  }
0x13a: {  	_ =	shalt  }

</sc_bundles>
